<compile_context>
chip_gen: v7x
topology: tpu7x:2x2x1
jax: 0.10.2.dev20260603
libtpu: 0.0.44.dev20260713+nightly
codegen_flags: <defaults>
</compile_context>

<pallas_src>
import functools

import numpy as np
import jax
import jax.numpy as jnp
from jax import lax
from jax.experimental import pallas as pl
from jax.experimental.pallas import tpu as pltpu
from jax.experimental.pallas import tpu_sc as plsc

B = 4096
F = 26
V = 1000
D = 16
C = F * (F - 1) // 2
RED = C // 2
H1, H2 = 1024, 512

_IU, _JU = np.triu_indices(F, k=1)

NC, NS = 2, 16
NW = NC * NS
CP = 328
RL = CP // 8
BB = 128
NBT = B // BB
IDXROW = 128
CG = 8
ROWS = CG * IDXROW
NCH_AB = NBT * RL
ITER_AB = NCH_AB // NW
NCH_L = B * F // ROWS
ITER_L = -(-NCH_L // NW)

def _sc_gather_body(ffm_hbm, lin_hbm, idxa_hbm, idxb_hbm, idxl_hbm,
               ema_hbm, emb_hbm, linv_hbm,
               idxa_v, idxb_v, idxl_v, rowsa_v, rowsb_v, rowsl_v,
               sema, semb, seml):
    wid = lax.axis_index("s") * NC + lax.axis_index("c")

    def chunk(k, carry):
        m = k * NW + wid
        pltpu.sync_copy(idxa_hbm.at[m], idxa_v)
        pltpu.sync_copy(idxb_hbm.at[m], idxb_v)
        cps = []
        for g in range(CG):
            cps.append(pltpu.async_copy(
                ffm_hbm.at[idxa_v.at[g]],
                rowsa_v.at[pl.ds(g * IDXROW, IDXROW)], sema))
            cps.append(pltpu.async_copy(
                ffm_hbm.at[idxb_v.at[g]],
                rowsb_v.at[pl.ds(g * IDXROW, IDXROW)], semb))
        for cp in cps:
            cp.wait()
        pltpu.sync_copy(rowsa_v, ema_hbm.at[pl.ds(m * ROWS, ROWS)])
        pltpu.sync_copy(rowsb_v, emb_hbm.at[pl.ds(m * ROWS, ROWS)])
        return carry

    lax.fori_loop(0, ITER_AB, chunk, 0)

    def lchunk(k, carry):
        m = k * NW + wid

        @pl.when(m < NCH_L)
        def _():
            pltpu.sync_copy(idxl_hbm.at[m], idxl_v)
            cps = [pltpu.async_copy(lin_hbm.at[idxl_v.at[g]],
                                    rowsl_v.at[pl.ds(g * IDXROW, IDXROW)], seml)
                   for g in range(CG)]
            for cp in cps:
                cp.wait()
            pltpu.sync_copy(rowsl_v, linv_hbm.at[pl.ds(m * ROWS, ROWS)])

        return carry

    lax.fori_loop(0, ITER_L, lchunk, 0)


@functools.lru_cache(maxsize=1)
def _sc_gather():
    mesh = plsc.VectorSubcoreMesh(core_axis_name="c", subcore_axis_name="s",
                                  num_cores=NC, num_subcores=NS)
    return pl.kernel(
        _sc_gather_body,
        out_type=(jax.ShapeDtypeStruct((B * CP, D), jnp.float32),
                  jax.ShapeDtypeStruct((B * CP, D), jnp.float32),
                  jax.ShapeDtypeStruct((B * F, D), jnp.float32)),
        mesh=mesh,
        compiler_params=pltpu.CompilerParams(use_tc_tiling_on_sc=False),
        scratch_types=[
            pltpu.VMEM((CG, IDXROW), jnp.int32),
            pltpu.VMEM((CG, IDXROW), jnp.int32),
            pltpu.VMEM((CG, IDXROW), jnp.int32),
            pltpu.VMEM((ROWS, D), jnp.float32),
            pltpu.VMEM((ROWS, D), jnp.float32),
            pltpu.VMEM((ROWS, D), jnp.float32),
            pltpu.SemaphoreType.DMA,
            pltpu.SemaphoreType.DMA,
            pltpu.SemaphoreType.DMA,
        ],
    )


SPF = RL * IDXROW

_GBIG_NP = np.zeros((SPF, CP), dtype=np.float32)
_GBIG_NP[np.arange(SPF), np.arange(SPF) // D] = 1.0
_GT_NP = np.ascontiguousarray(_GBIG_NP.T)
_GT_NP[C:] = 0.0


def _tc_body(ema_ref, emb_ref, linv_ref, cw_ref, cb_ref, g_ref, gt_ref,
             ew1_ref, eb1_ref, ew2_ref, eb2_ref,
             w1_ref, b1_ref, w2_ref, b2_ref, w3_ref, c0_ref, out_ref,
             em_scr):
    f32 = jnp.float32
    for r in range(RL):
        em_scr[:, pl.ds(r * IDXROW, IDXROW)] = (
            ema_ref[pl.ds(r * BB, BB), :] * emb_ref[pl.ds(r * BB, BB), :])
    em = em_scr[...]
    emw = (em * cw_ref[...]).astype(jnp.bfloat16)
    dcomp = jnp.dot(emw, g_ref[...],
                    preferred_element_type=f32) + cb_ref[...]
    t = jnp.maximum(jnp.dot(dcomp, ew1_ref[...],
                            preferred_element_type=f32) + eb1_ref[...], 0.0)
    s = jnp.maximum(jnp.dot(t, ew2_ref[...],
                            preferred_element_type=f32) + eb2_ref[...], 0.0)
    sexp = jnp.dot(s.astype(jnp.bfloat16), gt_ref[...],
                   preferred_element_type=f32)
    aem = (em * sexp).astype(jnp.bfloat16)
    h = jnp.maximum(jnp.dot(aem, w1_ref[...],
                            preferred_element_type=f32) + b1_ref[...], 0.0)
    h = jnp.maximum(jnp.dot(h.astype(jnp.bfloat16), w2_ref[...],
                            preferred_element_type=f32) + b2_ref[...], 0.0)
    ylin = jnp.sum(linv_ref[...], axis=1, keepdims=True)
    y = jnp.sum(h * w3_ref[...], axis=1, keepdims=True) + c0_ref[...] + ylin
    out_ref[...] = 1.0 / (1.0 + jnp.exp(-y))


def _tc_specs():
    zero = lambda i: (0, 0)
    row = lambda i: (i, 0)
    in_specs = [
        pl.BlockSpec((RL * BB, IDXROW), row),
        pl.BlockSpec((RL * BB, IDXROW), row),
        pl.BlockSpec((BB, F * D), row),
        pl.BlockSpec((1, SPF), zero),
        pl.BlockSpec((1, CP), zero),
        pl.BlockSpec((SPF, CP), zero),
        pl.BlockSpec((CP, SPF), zero),
        pl.BlockSpec((CP, RED), zero),
        pl.BlockSpec((1, RED), zero),
        pl.BlockSpec((RED, CP), zero),
        pl.BlockSpec((1, CP), zero),
        pl.BlockSpec((SPF, H1), zero),
        pl.BlockSpec((1, H1), zero),
        pl.BlockSpec((H1, H2), zero),
        pl.BlockSpec((1, H2), zero),
        pl.BlockSpec((1, H2), zero),
        pl.BlockSpec((1, 1), zero),
    ]
    out_spec = pl.BlockSpec((BB, 1), row)
    return in_specs, out_spec


_IU_PAD = np.concatenate([_IU, np.zeros(CP - C, dtype=_IU.dtype)])
_JU_PAD = np.concatenate([_JU, np.zeros(CP - C, dtype=_JU.dtype)])


def _arrange_idx(idx_pad):
    a = idx_pad.reshape(NBT, BB, RL, 8)
    a = jnp.swapaxes(a, 1, 2)
    return a.reshape(NCH_AB, CG, IDXROW)


def kernel(x, lin_tables, ffm_tables, compose_w, compose_b,
           exc_w1, exc_b1, exc_w2, exc_b2,
           mlp_w1, mlp_b1, mlp_w2, mlp_b2, mlp_w3, mlp_b3, b_global):
    iu = jnp.asarray(_IU, dtype=jnp.int32)
    ju = jnp.asarray(_JU, dtype=jnp.int32)
    ffm_g = jax.lax.optimization_barrier(
        ffm_tables.reshape(F, V * F // 8, 8, D).reshape(F * V * F // 8, 8 * D))
    ffm_flat = ffm_g.reshape(F * V * F, D)
    lin_pad = jnp.pad(lin_tables.reshape(F * V, 1), ((0, 0), (0, D - 1)))
    iup = jnp.asarray(_IU_PAD, dtype=jnp.int32)
    jup = jnp.asarray(_JU_PAD, dtype=jnp.int32)
    idxa = (iup * (V * F) + jup)[None, :] + jnp.take(x, iup, axis=1) * F
    idxb = (jup * (V * F) + iup)[None, :] + jnp.take(x, jup, axis=1) * F
    idxa2 = _arrange_idx(idxa)
    idxb2 = _arrange_idx(idxb)
    idxl = (jnp.arange(F, dtype=jnp.int32) * V)[None, :] + x
    idxl2 = idxl.reshape(NCH_L, CG, IDXROW)

    ema, emb, linv = _sc_gather()(ffm_flat, lin_pad, idxa2, idxb2, idxl2)

    ema2 = ema.reshape(B * CP * D // IDXROW, IDXROW)
    emb2 = emb.reshape(B * CP * D // IDXROW, IDXROW)
    linv2 = linv.reshape(B, F * D)
    c0 = (mlp_b3[0] + b_global[0]).reshape(1, 1)

    cwp = jnp.pad(compose_w.reshape(C * D), (0, SPF - C * D)).reshape(1, SPF)
    cbp = jnp.pad(compose_b, (0, CP - C)).reshape(1, CP)
    ew1p = jnp.pad(exc_w1, ((0, CP - C), (0, 0)))
    ew2p = jnp.pad(exc_w2, ((0, 0), (0, CP - C)))
    eb2p = jnp.pad(exc_b2, (0, CP - C)).reshape(1, CP)
    w1p = jnp.pad(mlp_w1, ((0, SPF - C * D), (0, 0))).astype(jnp.bfloat16)

    in_specs, out_spec = _tc_specs()
    out = pl.pallas_call(
        _tc_body,
        grid=(NBT,),
        in_specs=in_specs,
        out_specs=out_spec,
        out_shape=jax.ShapeDtypeStruct((B, 1), jnp.float32),
        scratch_shapes=[pltpu.VMEM((BB, SPF), jnp.float32)],
    )(ema2, emb2, linv2,
      cwp, cbp,
      jnp.asarray(_GBIG_NP, dtype=jnp.bfloat16),
      jnp.asarray(_GT_NP, dtype=jnp.bfloat16),
      ew1p, exc_b1.reshape(1, RED), ew2p, eb2p,
      w1p, mlp_b1.reshape(1, H1),
      mlp_w2.astype(jnp.bfloat16), mlp_b2.reshape(1, H2),
      mlp_w3.reshape(1, H2), c0)
    return out.reshape(B)

# --- scband reference (transcript-rebuilt; emitter-appended) ---
"""Pipeline reference for scband-fat-deep-ffm-36069135352391 (READ-ONLY COPY).

The authoritative reference and input builder live on the scoring server;
editing this copy changes nothing except your own understanding.
"""

import jax, jax.numpy as jnp
import numpy as np

B = 4096
F = 26
V = 1000
D = 16
C = F * (F - 1) // 2  # 325
RED = C // 2          # reduction_ratio = 2 -> 162
H1, H2 = 1024, 512


def setup_inputs(seed: int = 0):
    key = jax.random.key(seed)
    ks = jax.random.split(key, 16)
    x = jax.random.randint(ks[0], (B, F), 0, V, dtype=jnp.int32)
    # per-field linear embedding tables (embed_dim=1), stacked: [F, V, 1]
    lin_tables = jax.random.normal(ks[1], (F, V, 1), dtype=jnp.float32) * 0.01
    # per-field field-aware FFM tables: each field has V*F rows: [F, V*F, D]
    ffm_tables = jax.random.normal(ks[2], (F, V * F, D), dtype=jnp.float32) * 0.01
    # CEN compose: grouped conv1d(kernel=D, groups=C) == per-cross dot with weight [C, D] + bias [C]
    compose_w = jax.random.normal(ks[3], (C, D), dtype=jnp.float32) * 0.1
    compose_b = jnp.zeros((C,), dtype=jnp.float32)
    # CEN excitation MLP: C -> C//r -> C, relu
    exc_w1 = jax.random.normal(ks[4], (C, RED), dtype=jnp.float32) * 0.05
    exc_b1 = jnp.zeros((RED,), dtype=jnp.float32)
    exc_w2 = jax.random.normal(ks[5], (RED, C), dtype=jnp.float32) * 0.05
    exc_b2 = jnp.zeros((C,), dtype=jnp.float32)
    # output MLP: C*D -> 1024 -> 512 -> 1
    mlp_w1 = jax.random.normal(ks[6], (C * D, H1), dtype=jnp.float32) * 0.02
    mlp_b1 = jnp.zeros((H1,), dtype=jnp.float32)
    mlp_w2 = jax.random.normal(ks[7], (H1, H2), dtype=jnp.float32) * 0.05
    mlp_b2 = jnp.zeros((H2,), dtype=jnp.float32)
    mlp_w3 = jax.random.normal(ks[8], (H2, 1), dtype=jnp.float32) * 0.05
    mlp_b3 = jnp.zeros((1,), dtype=jnp.float32)
    b_global = jnp.zeros((1,), dtype=jnp.float32)
    return {"x": x, "lin_tables": lin_tables, "ffm_tables": ffm_tables,
            "compose_w": compose_w, "compose_b": compose_b,
            "exc_w1": exc_w1, "exc_b1": exc_b1, "exc_w2": exc_w2, "exc_b2": exc_b2,
            "mlp_w1": mlp_w1, "mlp_b1": mlp_b1, "mlp_w2": mlp_w2, "mlp_b2": mlp_b2,
            "mlp_w3": mlp_w3, "mlp_b3": mlp_b3, "b_global": b_global}


def reference(x, lin_tables, ffm_tables, compose_w, compose_b,
              exc_w1, exc_b1, exc_w2, exc_b2,
              mlp_w1, mlp_b1, mlp_w2, mlp_b2, mlp_w3, mlp_b3, b_global):
    Bn, Fn = x.shape
    fidx = jnp.arange(Fn)
    # linear part: per-field embed_dim=1 lookup, sum over fields -> [B, 1]
    lin = lin_tables[fidx[None, :], x]                    # [B, F, 1]
    y_linear = jnp.sum(lin.reshape(Bn, Fn), axis=1, keepdims=True)
    # field-aware FFM embeddings: index trick idx*F + field_offset
    offsets = jnp.arange(Fn)
    idx = x[:, :, None] * Fn + offsets[None, None, :]     # [B, F, F]
    em_all = ffm_tables[fidx[None, :, None], idx]         # [B, F, F, D]
    # FFM crosses (reduce_sum=False): em[:, i, j] * em[:, j, i] for i<j -> [B, C, D]
    iu, ju = np.triu_indices(Fn, k=1)
    em = em_all[:, iu, ju, :] * em_all[:, ju, iu, :]
    # CEN: compose (grouped conv over embed dim) then excitation
    d = jnp.einsum('bcd,cd->bc', em, compose_w) + compose_b   # [B, C]
    s = jax.nn.relu(jnp.dot(jax.nn.relu(jnp.dot(d, exc_w1) + exc_b1), exc_w2) + exc_b2)
    aem = (em * s[:, :, None]).reshape(Bn, -1)                # [B, C*D]
    # output MLP (dropout=0.0, eval mode)
    h = jax.nn.relu(jnp.dot(aem, mlp_w1) + mlp_b1)
    h = jax.nn.relu(jnp.dot(h, mlp_w2) + mlp_b2)
    y_ffm = jnp.dot(h, mlp_w3) + mlp_b3                       # [B, 1]
    y = y_linear + y_ffm
    return jax.nn.sigmoid(y[:, 0] + b_global[0])              # [B]


if False:  # reference __main__ guard neutralized (emitter)
    out = reference(**setup_inputs())
    print(out.shape, out.dtype)

if __name__ == "__main__":
    import jax
    _d = setup_inputs()
    print(jax.jit(kernel)(*tuple(_d.values())))

</pallas_src>

<mosaic_0001>
#map = affine_map<(d0, d1) -> (0, 0)>
#map1 = affine_map<(d0, d1) -> (0, 0, 0)>
module attributes {stable_mosaic.version = 14 : i64} {
  func.func @_sc_gather_body(%arg0: i32, %arg1: i32, %arg2: memref<676000x16xf32, #tpu.memory_space<hbm>>, %arg3: memref<26000x16xf32, #tpu.memory_space<hbm>>, %arg4: memref<1312x8x128xi32, #tpu.memory_space<hbm>>, %arg5: memref<1312x8x128xi32, #tpu.memory_space<hbm>>, %arg6: memref<104x8x128xi32, #tpu.memory_space<hbm>>, %arg7: memref<1343488x16xf32, #tpu.memory_space<hbm>>, %arg8: memref<1343488x16xf32, #tpu.memory_space<hbm>>, %arg9: memref<106496x16xf32, #tpu.memory_space<hbm>>, %arg10: memref<8x128xi32, #tpu.memory_space<vmem>>, %arg11: memref<8x128xi32, #tpu.memory_space<vmem>>, %arg12: memref<8x128xi32, #tpu.memory_space<vmem>>, %arg13: memref<1024x16xf32, #tpu.memory_space<vmem>>, %arg14: memref<1024x16xf32, #tpu.memory_space<vmem>>, %arg15: memref<1024x16xf32, #tpu.memory_space<vmem>>, %arg16: memref<!tpu.dma_semaphore, #tpu.memory_space<semaphore_mem>>, %arg17: memref<!tpu.dma_semaphore, #tpu.memory_space<semaphore_mem>>, %arg18: memref<!tpu.dma_semaphore, #tpu.memory_space<semaphore_mem>>) attributes {dimension_semantics = [#tpu.dimension_semantics<core_parallel>, #tpu.dimension_semantics<subcore_parallel>], iteration_bounds = array<i64: 2, 16>, scalar_prefetch = 0 : i64, scratch_operands = 9 : i64, tpu.core_type = #tpu.core_type<sc_vector_subcore>, window_params = [{transform_indices = #map}, {transform_indices = #map}, {transform_indices = #map1}, {transform_indices = #map1}, {transform_indices = #map1}, {transform_indices = #map}, {transform_indices = #map}, {transform_indices = #map}]} {
    %mul3A = arith.constant 2 : i32
    %mul3A_0 = arith.muli %arg1, %mul3A : i32
    %add3A = arith.addi %mul3A_0, %arg0 : i32
    %scan3A = arith.constant 0 : i32
    %scan3A_1 = arith.constant 0 : i32
    %scan3A_2 = arith.constant 41 : i32
    %scan3A_3 = arith.addi %scan3A_1, %scan3A_2 : i32
    %scan3A_4 = arith.constant 1 : i32
    scf.for %scan3A_12 = %scan3A_1 to %scan3A_3 step %scan3A_4  : i32 {
      %mul3A_13 = arith.constant 32 : i32
      %mul3A_14 = arith.muli %scan3A_12, %mul3A_13 : i32
      %add3A_15 = arith.addi %mul3A_14, %add3A : i32
      "tpu.region"() ({
        %run_scoped3A = tpu.sem_alloc : memref<!tpu.dma_semaphore, #tpu.memory_space<semaphore_mem>>
        %dma_start3A_338 = arith.constant 0 : i32
        %dma_start3A_339 = arith.constant 0 : i32
        %dma_start3A_340 = tpu.memref_slice %arg4[%add3A_15, %dma_start3A_338, %dma_start3A_339] : memref<1312x8x128xi32, #tpu.memory_space<hbm>> -> memref<1x8x128xi32, #tpu.memory_space<hbm>>
        %dma_start3A_341 = tpu.memref_squeeze %dma_start3A_340 : memref<1x8x128xi32, #tpu.memory_space<hbm>> -> memref<8x128xi32, #tpu.memory_space<hbm>>
        %dma_start3A_342 = arith.constant 0 : i32
        %dma_start3A_343 = arith.constant 0 : i32
        %dma_start3A_344 = tpu.memref_slice %arg4[%add3A_15, %dma_start3A_342, %dma_start3A_343] : memref<1312x8x128xi32, #tpu.memory_space<hbm>> -> memref<1x8x128xi32, #tpu.memory_space<hbm>>
        %dma_start3A_345 = tpu.memref_squeeze %dma_start3A_344 : memref<1x8x128xi32, #tpu.memory_space<hbm>> -> memref<8x128xi32, #tpu.memory_space<hbm>>
        tpu.enqueue_dma source(%dma_start3A_345 : memref<8x128xi32, #tpu.memory_space<hbm>>) target(%arg10 : memref<8x128xi32, #tpu.memory_space<vmem>>) target_semaphore(%run_scoped3A : memref<!tpu.dma_semaphore, #tpu.memory_space<semaphore_mem>>)
        %dma_wait3A_346 = arith.constant 0 : i32
        %dma_wait3A_347 = arith.constant 0 : i32
        %dma_wait3A_348 = tpu.memref_slice %arg4[%add3A_15, %dma_wait3A_346, %dma_wait3A_347] : memref<1312x8x128xi32, #tpu.memory_space<hbm>> -> memref<1x8x128xi32, #tpu.memory_space<hbm>>
        %dma_wait3A_349 = tpu.memref_squeeze %dma_wait3A_348 : memref<1x8x128xi32, #tpu.memory_space<hbm>> -> memref<8x128xi32, #tpu.memory_space<hbm>>
        %dma_wait3A_350 = arith.constant 0 : i32
        %dma_wait3A_351 = arith.constant 0 : i32
        %dma_wait3A_352 = tpu.memref_slice %arg4[%add3A_15, %dma_wait3A_350, %dma_wait3A_351] : memref<1312x8x128xi32, #tpu.memory_space<hbm>> -> memref<1x8x128xi32, #tpu.memory_space<hbm>>
        %dma_wait3A_353 = tpu.memref_squeeze %dma_wait3A_352 : memref<1x8x128xi32, #tpu.memory_space<hbm>> -> memref<8x128xi32, #tpu.memory_space<hbm>>
        tpu.wait_dma2 semaphore(%run_scoped3A : memref<!tpu.dma_semaphore, #tpu.memory_space<semaphore_mem>>) src(%dma_wait3A_353 : memref<8x128xi32, #tpu.memory_space<hbm>>) dst(%arg10 : memref<8x128xi32, #tpu.memory_space<vmem>>)
        tpu.yield
      }) : () -> ()
      "tpu.region"() ({
        %run_scoped3A = tpu.sem_alloc : memref<!tpu.dma_semaphore, #tpu.memory_space<semaphore_mem>>
        %dma_start3A_338 = arith.constant 0 : i32
        %dma_start3A_339 = arith.constant 0 : i32
        %dma_start3A_340 = tpu.memref_slice %arg5[%add3A_15, %dma_start3A_338, %dma_start3A_339] : memref<1312x8x128xi32, #tpu.memory_space<hbm>> -> memref<1x8x128xi32, #tpu.memory_space<hbm>>
        %dma_start3A_341 = tpu.memref_squeeze %dma_start3A_340 : memref<1x8x128xi32, #tpu.memory_space<hbm>> -> memref<8x128xi32, #tpu.memory_space<hbm>>
        %dma_start3A_342 = arith.constant 0 : i32
        %dma_start3A_343 = arith.constant 0 : i32
        %dma_start3A_344 = tpu.memref_slice %arg5[%add3A_15, %dma_start3A_342, %dma_start3A_343] : memref<1312x8x128xi32, #tpu.memory_space<hbm>> -> memref<1x8x128xi32, #tpu.memory_space<hbm>>
        %dma_start3A_345 = tpu.memref_squeeze %dma_start3A_344 : memref<1x8x128xi32, #tpu.memory_space<hbm>> -> memref<8x128xi32, #tpu.memory_space<hbm>>
        tpu.enqueue_dma source(%dma_start3A_345 : memref<8x128xi32, #tpu.memory_space<hbm>>) target(%arg11 : memref<8x128xi32, #tpu.memory_space<vmem>>) target_semaphore(%run_scoped3A : memref<!tpu.dma_semaphore, #tpu.memory_space<semaphore_mem>>)
        %dma_wait3A_346 = arith.constant 0 : i32
        %dma_wait3A_347 = arith.constant 0 : i32
        %dma_wait3A_348 = tpu.memref_slice %arg5[%add3A_15, %dma_wait3A_346, %dma_wait3A_347] : memref<1312x8x128xi32, #tpu.memory_space<hbm>> -> memref<1x8x128xi32, #tpu.memory_space<hbm>>
        %dma_wait3A_349 = tpu.memref_squeeze %dma_wait3A_348 : memref<1x8x128xi32, #tpu.memory_space<hbm>> -> memref<8x128xi32, #tpu.memory_space<hbm>>
        %dma_wait3A_350 = arith.constant 0 : i32
        %dma_wait3A_351 = arith.constant 0 : i32
        %dma_wait3A_352 = tpu.memref_slice %arg5[%add3A_15, %dma_wait3A_350, %dma_wait3A_351] : memref<1312x8x128xi32, #tpu.memory_space<hbm>> -> memref<1x8x128xi32, #tpu.memory_space<hbm>>
        %dma_wait3A_353 = tpu.memref_squeeze %dma_wait3A_352 : memref<1x8x128xi32, #tpu.memory_space<hbm>> -> memref<8x128xi32, #tpu.memory_space<hbm>>
        tpu.wait_dma2 semaphore(%run_scoped3A : memref<!tpu.dma_semaphore, #tpu.memory_space<semaphore_mem>>) src(%dma_wait3A_353 : memref<8x128xi32, #tpu.memory_space<hbm>>) dst(%arg11 : memref<8x128xi32, #tpu.memory_space<vmem>>)
        tpu.yield
      }) : () -> ()
      %dma_start3A = arith.constant 0 : i32
      %dma_start3A_16 = arith.constant 0 : i32
      %dma_start3A_17 = arith.constant 0 : i32
      %dma_start3A_18 = tpu.memref_slice %arg13[%dma_start3A_16, %dma_start3A_17] : memref<1024x16xf32, #tpu.memory_space<vmem>> -> memref<128x16xf32, #tpu.memory_space<vmem>>
      %dma_start3A_19 = arith.constant 0 : i32
      %dma_start3A_20 = tpu.memref_slice %arg10[%dma_start3A, %dma_start3A_19] : memref<8x128xi32, #tpu.memory_space<vmem>> -> memref<1x128xi32, #tpu.memory_space<vmem>>
      %dma_start3A_21 = tpu.memref_squeeze %dma_start3A_20 : memref<1x128xi32, #tpu.memory_space<vmem>> -> memref<128xi32, #tpu.memory_space<vmem>>
      %dma_start3A_22 = arith.constant 0 : i32
      %dma_start3A_23 = arith.constant 0 : i32
      %dma_start3A_24 = tpu.memref_slice %arg2[%dma_start3A_22, %dma_start3A_23] : memref<676000x16xf32, #tpu.memory_space<hbm>> -> memref<676000x16xf32, #tpu.memory_space<hbm>>
      tpu.enqueue_indirect_dma source(%dma_start3A_24 : memref<676000x16xf32, #tpu.memory_space<hbm>>) target(%dma_start3A_18 : memref<128x16xf32, #tpu.memory_space<vmem>>) offsets(%dma_start3A_21 : memref<128xi32, #tpu.memory_space<vmem>>) semaphore(%arg16 : memref<!tpu.dma_semaphore, #tpu.memory_space<semaphore_mem>>)
      %dma_start3A_25 = arith.constant 0 : i32
      %dma_start3A_26 = arith.constant 0 : i32
      %dma_start3A_27 = arith.constant 0 : i32
      %dma_start3A_28 = tpu.memref_slice %arg14[%dma_start3A_26, %dma_start3A_27] : memref<1024x16xf32, #tpu.memory_space<vmem>> -> memref<128x16xf32, #tpu.memory_space<vmem>>
      %dma_start3A_29 = arith.constant 0 : i32
      %dma_start3A_30 = tpu.memref_slice %arg11[%dma_start3A_25, %dma_start3A_29] : memref<8x128xi32, #tpu.memory_space<vmem>> -> memref<1x128xi32, #tpu.memory_space<vmem>>
      %dma_start3A_31 = tpu.memref_squeeze %dma_start3A_30 : memref<1x128xi32, #tpu.memory_space<vmem>> -> memref<128xi32, #tpu.memory_space<vmem>>
      %dma_start3A_32 = arith.constant 0 : i32
      %dma_start3A_33 = arith.constant 0 : i32
      %dma_start3A_34 = tpu.memref_slice %arg2[%dma_start3A_32, %dma_start3A_33] : memref<676000x16xf32, #tpu.memory_space<hbm>> -> memref<676000x16xf32, #tpu.memory_space<hbm>>
      tpu.enqueue_indirect_dma source(%dma_start3A_34 : memref<676000x16xf32, #tpu.memory_space<hbm>>) target(%dma_start3A_28 : memref<128x16xf32, #tpu.memory_space<vmem>>) offsets(%dma_start3A_31 : memref<128xi32, #tpu.memory_space<vmem>>) semaphore(%arg17 : memref<!tpu.dma_semaphore, #tpu.memory_space<semaphore_mem>>)
      %dma_start3A_35 = arith.constant 1 : i32
      %dma_start3A_36 = arith.constant 128 : i32
      %dma_start3A_37 = arith.constant 0 : i32
      %dma_start3A_38 = tpu.memref_slice %arg13[%dma_start3A_36, %dma_start3A_37] : memref<1024x16xf32, #tpu.memory_space<vmem>> -> memref<128x16xf32, #tpu.memory_space<vmem>>
      %dma_start3A_39 = arith.constant 0 : i32
      %dma_start3A_40 = tpu.memref_slice %arg10[%dma_start3A_35, %dma_start3A_39] : memref<8x128xi32, #tpu.memory_space<vmem>> -> memref<1x128xi32, #tpu.memory_space<vmem>>
      %dma_start3A_41 = tpu.memref_squeeze %dma_start3A_40 : memref<1x128xi32, #tpu.memory_space<vmem>> -> memref<128xi32, #tpu.memory_space<vmem>>
      %dma_start3A_42 = arith.constant 0 : i32
      %dma_start3A_43 = arith.constant 0 : i32
      %dma_start3A_44 = tpu.memref_slice %arg2[%dma_start3A_42, %dma_start3A_43] : memref<676000x16xf32, #tpu.memory_space<hbm>> -> memref<676000x16xf32, #tpu.memory_space<hbm>>
      tpu.enqueue_indirect_dma source(%dma_start3A_44 : memref<676000x16xf32, #tpu.memory_space<hbm>>) target(%dma_start3A_38 : memref<128x16xf32, #tpu.memory_space<vmem>>) offsets(%dma_start3A_41 : memref<128xi32, #tpu.memory_space<vmem>>) semaphore(%arg16 : memref<!tpu.dma_semaphore, #tpu.memory_space<semaphore_mem>>)
      %dma_start3A_45 = arith.constant 1 : i32
      %dma_start3A_46 = arith.constant 128 : i32
      %dma_start3A_47 = arith.constant 0 : i32
      %dma_start3A_48 = tpu.memref_slice %arg14[%dma_start3A_46, %dma_start3A_47] : memref<1024x16xf32, #tpu.memory_space<vmem>> -> memref<128x16xf32, #tpu.memory_space<vmem>>
      %dma_start3A_49 = arith.constant 0 : i32
      %dma_start3A_50 = tpu.memref_slice %arg11[%dma_start3A_45, %dma_start3A_49] : memref<8x128xi32, #tpu.memory_space<vmem>> -> memref<1x128xi32, #tpu.memory_space<vmem>>
      %dma_start3A_51 = tpu.memref_squeeze %dma_start3A_50 : memref<1x128xi32, #tpu.memory_space<vmem>> -> memref<128xi32, #tpu.memory_space<vmem>>
      %dma_start3A_52 = arith.constant 0 : i32
      %dma_start3A_53 = arith.constant 0 : i32
      %dma_start3A_54 = tpu.memref_slice %arg2[%dma_start3A_52, %dma_start3A_53] : memref<676000x16xf32, #tpu.memory_space<hbm>> -> memref<676000x16xf32, #tpu.memory_space<hbm>>
      tpu.enqueue_indirect_dma source(%dma_start3A_54 : memref<676000x16xf32, #tpu.memory_space<hbm>>) target(%dma_start3A_48 : memref<128x16xf32, #tpu.memory_space<vmem>>) offsets(%dma_start3A_51 : memref<128xi32, #tpu.memory_space<vmem>>) semaphore(%arg17 : memref<!tpu.dma_semaphore, #tpu.memory_space<semaphore_mem>>)
      %dma_start3A_55 = arith.constant 2 : i32
      %dma_start3A_56 = arith.constant 256 : i32
      %dma_start3A_57 = arith.constant 0 : i32
      %dma_start3A_58 = tpu.memref_slice %arg13[%dma_start3A_56, %dma_start3A_57] : memref<1024x16xf32, #tpu.memory_space<vmem>> -> memref<128x16xf32, #tpu.memory_space<vmem>>
      %dma_start3A_59 = arith.constant 0 : i32
      %dma_start3A_60 = tpu.memref_slice %arg10[%dma_start3A_55, %dma_start3A_59] : memref<8x128xi32, #tpu.memory_space<vmem>> -> memref<1x128xi32, #tpu.memory_space<vmem>>
      %dma_start3A_61 = tpu.memref_squeeze %dma_start3A_60 : memref<1x128xi32, #tpu.memory_space<vmem>> -> memref<128xi32, #tpu.memory_space<vmem>>
      %dma_start3A_62 = arith.constant 0 : i32
      %dma_start3A_63 = arith.constant 0 : i32
      %dma_start3A_64 = tpu.memref_slice %arg2[%dma_start3A_62, %dma_start3A_63] : memref<676000x16xf32, #tpu.memory_space<hbm>> -> memref<676000x16xf32, #tpu.memory_space<hbm>>
      tpu.enqueue_indirect_dma source(%dma_start3A_64 : memref<676000x16xf32, #tpu.memory_space<hbm>>) target(%dma_start3A_58 : memref<128x16xf32, #tpu.memory_space<vmem>>) offsets(%dma_start3A_61 : memref<128xi32, #tpu.memory_space<vmem>>) semaphore(%arg16 : memref<!tpu.dma_semaphore, #tpu.memory_space<semaphore_mem>>)
      %dma_start3A_65 = arith.constant 2 : i32
      %dma_start3A_66 = arith.constant 256 : i32
      %dma_start3A_67 = arith.constant 0 : i32
      %dma_start3A_68 = tpu.memref_slice %arg14[%dma_start3A_66, %dma_start3A_67] : memref<1024x16xf32, #tpu.memory_space<vmem>> -> memref<128x16xf32, #tpu.memory_space<vmem>>
      %dma_start3A_69 = arith.constant 0 : i32
      %dma_start3A_70 = tpu.memref_slice %arg11[%dma_start3A_65, %dma_start3A_69] : memref<8x128xi32, #tpu.memory_space<vmem>> -> memref<1x128xi32, #tpu.memory_space<vmem>>
      %dma_start3A_71 = tpu.memref_squeeze %dma_start3A_70 : memref<1x128xi32, #tpu.memory_space<vmem>> -> memref<128xi32, #tpu.memory_space<vmem>>
      %dma_start3A_72 = arith.constant 0 : i32
      %dma_start3A_73 = arith.constant 0 : i32
      %dma_start3A_74 = tpu.memref_slice %arg2[%dma_start3A_72, %dma_start3A_73] : memref<676000x16xf32, #tpu.memory_space<hbm>> -> memref<676000x16xf32, #tpu.memory_space<hbm>>
      tpu.enqueue_indirect_dma source(%dma_start3A_74 : memref<676000x16xf32, #tpu.memory_space<hbm>>) target(%dma_start3A_68 : memref<128x16xf32, #tpu.memory_space<vmem>>) offsets(%dma_start3A_71 : memref<128xi32, #tpu.memory_space<vmem>>) semaphore(%arg17 : memref<!tpu.dma_semaphore, #tpu.memory_space<semaphore_mem>>)
      %dma_start3A_75 = arith.constant 3 : i32
      %dma_start3A_76 = arith.constant 384 : i32
      %dma_start3A_77 = arith.constant 0 : i32
      %dma_start3A_78 = tpu.memref_slice %arg13[%dma_start3A_76, %dma_start3A_77] : memref<1024x16xf32, #tpu.memory_space<vmem>> -> memref<128x16xf32, #tpu.memory_space<vmem>>
      %dma_start3A_79 = arith.constant 0 : i32
      %dma_start3A_80 = tpu.memref_slice %arg10[%dma_start3A_75, %dma_start3A_79] : memref<8x128xi32, #tpu.memory_space<vmem>> -> memref<1x128xi32, #tpu.memory_space<vmem>>
      %dma_start3A_81 = tpu.memref_squeeze %dma_start3A_80 : memref<1x128xi32, #tpu.memory_space<vmem>> -> memref<128xi32, #tpu.memory_space<vmem>>
      %dma_start3A_82 = arith.constant 0 : i32
      %dma_start3A_83 = arith.constant 0 : i32
      %dma_start3A_84 = tpu.memref_slice %arg2[%dma_start3A_82, %dma_start3A_83] : memref<676000x16xf32, #tpu.memory_space<hbm>> -> memref<676000x16xf32, #tpu.memory_space<hbm>>
      tpu.enqueue_indirect_dma source(%dma_start3A_84 : memref<676000x16xf32, #tpu.memory_space<hbm>>) target(%dma_start3A_78 : memref<128x16xf32, #tpu.memory_space<vmem>>) offsets(%dma_start3A_81 : memref<128xi32, #tpu.memory_space<vmem>>) semaphore(%arg16 : memref<!tpu.dma_semaphore, #tpu.memory_space<semaphore_mem>>)
      %dma_start3A_85 = arith.constant 3 : i32
      %dma_start3A_86 = arith.constant 384 : i32
      %dma_start3A_87 = arith.constant 0 : i32
      %dma_start3A_88 = tpu.memref_slice %arg14[%dma_start3A_86, %dma_start3A_87] : memref<1024x16xf32, #tpu.memory_space<vmem>> -> memref<128x16xf32, #tpu.memory_space<vmem>>
      %dma_start3A_89 = arith.constant 0 : i32
      %dma_start3A_90 = tpu.memref_slice %arg11[%dma_start3A_85, %dma_start3A_89] : memref<8x128xi32, #tpu.memory_space<vmem>> -> memref<1x128xi32, #tpu.memory_space<vmem>>
      %dma_start3A_91 = tpu.memref_squeeze %dma_start3A_90 : memref<1x128xi32, #tpu.memory_space<vmem>> -> memref<128xi32, #tpu.memory_space<vmem>>
      %dma_start3A_92 = arith.constant 0 : i32
      %dma_start3A_93 = arith.constant 0 : i32
      %dma_start3A_94 = tpu.memref_slice %arg2[%dma_start3A_92, %dma_start3A_93] : memref<676000x16xf32, #tpu.memory_space<hbm>> -> memref<676000x16xf32, #tpu.memory_space<hbm>>
      tpu.enqueue_indirect_dma source(%dma_start3A_94 : memref<676000x16xf32, #tpu.memory_space<hbm>>) target(%dma_start3A_88 : memref<128x16xf32, #tpu.memory_space<vmem>>) offsets(%dma_start3A_91 : memref<128xi32, #tpu.memory_space<vmem>>) semaphore(%arg17 : memref<!tpu.dma_semaphore, #tpu.memory_space<semaphore_mem>>)
      %dma_start3A_95 = arith.constant 4 : i32
      %dma_start3A_96 = arith.constant 512 : i32
      %dma_start3A_97 = arith.constant 0 : i32
      %dma_start3A_98 = tpu.memref_slice %arg13[%dma_start3A_96, %dma_start3A_97] : memref<1024x16xf32, #tpu.memory_space<vmem>> -> memref<128x16xf32, #tpu.memory_space<vmem>>
      %dma_start3A_99 = arith.constant 0 : i32
      %dma_start3A_100 = tpu.memref_slice %arg10[%dma_start3A_95, %dma_start3A_99] : memref<8x128xi32, #tpu.memory_space<vmem>> -> memref<1x128xi32, #tpu.memory_space<vmem>>
      %dma_start3A_101 = tpu.memref_squeeze %dma_start3A_100 : memref<1x128xi32, #tpu.memory_space<vmem>> -> memref<128xi32, #tpu.memory_space<vmem>>
      %dma_start3A_102 = arith.constant 0 : i32
      %dma_start3A_103 = arith.constant 0 : i32
      %dma_start3A_104 = tpu.memref_slice %arg2[%dma_start3A_102, %dma_start3A_103] : memref<676000x16xf32, #tpu.memory_space<hbm>> -> memref<676000x16xf32, #tpu.memory_space<hbm>>
      tpu.enqueue_indirect_dma source(%dma_start3A_104 : memref<676000x16xf32, #tpu.memory_space<hbm>>) target(%dma_start3A_98 : memref<128x16xf32, #tpu.memory_space<vmem>>) offsets(%dma_start3A_101 : memref<128xi32, #tpu.memory_space<vmem>>) semaphore(%arg16 : memref<!tpu.dma_semaphore, #tpu.memory_space<semaphore_mem>>)
      %dma_start3A_105 = arith.constant 4 : i32
      %dma_start3A_106 = arith.constant 512 : i32
      %dma_start3A_107 = arith.constant 0 : i32
      %dma_start3A_108 = tpu.memref_slice %arg14[%dma_start3A_106, %dma_start3A_107] : memref<1024x16xf32, #tpu.memory_space<vmem>> -> memref<128x16xf32, #tpu.memory_space<vmem>>
      %dma_start3A_109 = arith.constant 0 : i32
      %dma_start3A_110 = tpu.memref_slice %arg11[%dma_start3A_105, %dma_start3A_109] : memref<8x128xi32, #tpu.memory_space<vmem>> -> memref<1x128xi32, #tpu.memory_space<vmem>>
      %dma_start3A_111 = tpu.memref_squeeze %dma_start3A_110 : memref<1x128xi32, #tpu.memory_space<vmem>> -> memref<128xi32, #tpu.memory_space<vmem>>
      %dma_start3A_112 = arith.constant 0 : i32
      %dma_start3A_113 = arith.constant 0 : i32
      %dma_start3A_114 = tpu.memref_slice %arg2[%dma_start3A_112, %dma_start3A_113] : memref<676000x16xf32, #tpu.memory_space<hbm>> -> memref<676000x16xf32, #tpu.memory_space<hbm>>
      tpu.enqueue_indirect_dma source(%dma_start3A_114 : memref<676000x16xf32, #tpu.memory_space<hbm>>) target(%dma_start3A_108 : memref<128x16xf32, #tpu.memory_space<vmem>>) offsets(%dma_start3A_111 : memref<128xi32, #tpu.memory_space<vmem>>) semaphore(%arg17 : memref<!tpu.dma_semaphore, #tpu.memory_space<semaphore_mem>>)
      %dma_start3A_115 = arith.constant 5 : i32
      %dma_start3A_116 = arith.constant 640 : i32
      %dma_start3A_117 = arith.constant 0 : i32
      %dma_start3A_118 = tpu.memref_slice %arg13[%dma_start3A_116, %dma_start3A_117] : memref<1024x16xf32, #tpu.memory_space<vmem>> -> memref<128x16xf32, #tpu.memory_space<vmem>>
      %dma_start3A_119 = arith.constant 0 : i32
      %dma_start3A_120 = tpu.memref_slice %arg10[%dma_start3A_115, %dma_start3A_119] : memref<8x128xi32, #tpu.memory_space<vmem>> -> memref<1x128xi32, #tpu.memory_space<vmem>>
      %dma_start3A_121 = tpu.memref_squeeze %dma_start3A_120 : memref<1x128xi32, #tpu.memory_space<vmem>> -> memref<128xi32, #tpu.memory_space<vmem>>
      %dma_start3A_122 = arith.constant 0 : i32
      %dma_start3A_123 = arith.constant 0 : i32
      %dma_start3A_124 = tpu.memref_slice %arg2[%dma_start3A_122, %dma_start3A_123] : memref<676000x16xf32, #tpu.memory_space<hbm>> -> memref<676000x16xf32, #tpu.memory_space<hbm>>
      tpu.enqueue_indirect_dma source(%dma_start3A_124 : memref<676000x16xf32, #tpu.memory_space<hbm>>) target(%dma_start3A_118 : memref<128x16xf32, #tpu.memory_space<vmem>>) offsets(%dma_start3A_121 : memref<128xi32, #tpu.memory_space<vmem>>) semaphore(%arg16 : memref<!tpu.dma_semaphore, #tpu.memory_space<semaphore_mem>>)
      %dma_start3A_125 = arith.constant 5 : i32
      %dma_start3A_126 = arith.constant 640 : i32
      %dma_start3A_127 = arith.constant 0 : i32
      %dma_start3A_128 = tpu.memref_slice %arg14[%dma_start3A_126, %dma_start3A_127] : memref<1024x16xf32, #tpu.memory_space<vmem>> -> memref<128x16xf32, #tpu.memory_space<vmem>>
      %dma_start3A_129 = arith.constant 0 : i32
      %dma_start3A_130 = tpu.memref_slice %arg11[%dma_start3A_125, %dma_start3A_129] : memref<8x128xi32, #tpu.memory_space<vmem>> -> memref<1x128xi32, #tpu.memory_space<vmem>>
      %dma_start3A_131 = tpu.memref_squeeze %dma_start3A_130 : memref<1x128xi32, #tpu.memory_space<vmem>> -> memref<128xi32, #tpu.memory_space<vmem>>
      %dma_start3A_132 = arith.constant 0 : i32
      %dma_start3A_133 = arith.constant 0 : i32
      %dma_start3A_134 = tpu.memref_slice %arg2[%dma_start3A_132, %dma_start3A_133] : memref<676000x16xf32, #tpu.memory_space<hbm>> -> memref<676000x16xf32, #tpu.memory_space<hbm>>
      tpu.enqueue_indirect_dma source(%dma_start3A_134 : memref<676000x16xf32, #tpu.memory_space<hbm>>) target(%dma_start3A_128 : memref<128x16xf32, #tpu.memory_space<vmem>>) offsets(%dma_start3A_131 : memref<128xi32, #tpu.memory_space<vmem>>) semaphore(%arg17 : memref<!tpu.dma_semaphore, #tpu.memory_space<semaphore_mem>>)
      %dma_start3A_135 = arith.constant 6 : i32
      %dma_start3A_136 = arith.constant 768 : i32
      %dma_start3A_137 = arith.constant 0 : i32
      %dma_start3A_138 = tpu.memref_slice %arg13[%dma_start3A_136, %dma_start3A_137] : memref<1024x16xf32, #tpu.memory_space<vmem>> -> memref<128x16xf32, #tpu.memory_space<vmem>>
      %dma_start3A_139 = arith.constant 0 : i32
      %dma_start3A_140 = tpu.memref_slice %arg10[%dma_start3A_135, %dma_start3A_139] : memref<8x128xi32, #tpu.memory_space<vmem>> -> memref<1x128xi32, #tpu.memory_space<vmem>>
      %dma_start3A_141 = tpu.memref_squeeze %dma_start3A_140 : memref<1x128xi32, #tpu.memory_space<vmem>> -> memref<128xi32, #tpu.memory_space<vmem>>
      %dma_start3A_142 = arith.constant 0 : i32
      %dma_start3A_143 = arith.constant 0 : i32
      %dma_start3A_144 = tpu.memref_slice %arg2[%dma_start3A_142, %dma_start3A_143] : memref<676000x16xf32, #tpu.memory_space<hbm>> -> memref<676000x16xf32, #tpu.memory_space<hbm>>
      tpu.enqueue_indirect_dma source(%dma_start3A_144 : memref<676000x16xf32, #tpu.memory_space<hbm>>) target(%dma_start3A_138 : memref<128x16xf32, #tpu.memory_space<vmem>>) offsets(%dma_start3A_141 : memref<128xi32, #tpu.memory_space<vmem>>) semaphore(%arg16 : memref<!tpu.dma_semaphore, #tpu.memory_space<semaphore_mem>>)
      %dma_start3A_145 = arith.constant 6 : i32
      %dma_start3A_146 = arith.constant 768 : i32
      %dma_start3A_147 = arith.constant 0 : i32
      %dma_start3A_148 = tpu.memref_slice %arg14[%dma_start3A_146, %dma_start3A_147] : memref<1024x16xf32, #tpu.memory_space<vmem>> -> memref<128x16xf32, #tpu.memory_space<vmem>>
      %dma_start3A_149 = arith.constant 0 : i32
      %dma_start3A_150 = tpu.memref_slice %arg11[%dma_start3A_145, %dma_start3A_149] : memref<8x128xi32, #tpu.memory_space<vmem>> -> memref<1x128xi32, #tpu.memory_space<vmem>>
      %dma_start3A_151 = tpu.memref_squeeze %dma_start3A_150 : memref<1x128xi32, #tpu.memory_space<vmem>> -> memref<128xi32, #tpu.memory_space<vmem>>
      %dma_start3A_152 = arith.constant 0 : i32
      %dma_start3A_153 = arith.constant 0 : i32
      %dma_start3A_154 = tpu.memref_slice %arg2[%dma_start3A_152, %dma_start3A_153] : memref<676000x16xf32, #tpu.memory_space<hbm>> -> memref<676000x16xf32, #tpu.memory_space<hbm>>
      tpu.enqueue_indirect_dma source(%dma_start3A_154 : memref<676000x16xf32, #tpu.memory_space<hbm>>) target(%dma_start3A_148 : memref<128x16xf32, #tpu.memory_space<vmem>>) offsets(%dma_start3A_151 : memref<128xi32, #tpu.memory_space<vmem>>) semaphore(%arg17 : memref<!tpu.dma_semaphore, #tpu.memory_space<semaphore_mem>>)
      %dma_start3A_155 = arith.constant 7 : i32
      %dma_start3A_156 = arith.constant 896 : i32
      %dma_start3A_157 = arith.constant 0 : i32
      %dma_start3A_158 = tpu.memref_slice %arg13[%dma_start3A_156, %dma_start3A_157] : memref<1024x16xf32, #tpu.memory_space<vmem>> -> memref<128x16xf32, #tpu.memory_space<vmem>>
      %dma_start3A_159 = arith.constant 0 : i32
      %dma_start3A_160 = tpu.memref_slice %arg10[%dma_start3A_155, %dma_start3A_159] : memref<8x128xi32, #tpu.memory_space<vmem>> -> memref<1x128xi32, #tpu.memory_space<vmem>>
      %dma_start3A_161 = tpu.memref_squeeze %dma_start3A_160 : memref<1x128xi32, #tpu.memory_space<vmem>> -> memref<128xi32, #tpu.memory_space<vmem>>
      %dma_start3A_162 = arith.constant 0 : i32
      %dma_start3A_163 = arith.constant 0 : i32
      %dma_start3A_164 = tpu.memref_slice %arg2[%dma_start3A_162, %dma_start3A_163] : memref<676000x16xf32, #tpu.memory_space<hbm>> -> memref<676000x16xf32, #tpu.memory_space<hbm>>
      tpu.enqueue_indirect_dma source(%dma_start3A_164 : memref<676000x16xf32, #tpu.memory_space<hbm>>) target(%dma_start3A_158 : memref<128x16xf32, #tpu.memory_space<vmem>>) offsets(%dma_start3A_161 : memref<128xi32, #tpu.memory_space<vmem>>) semaphore(%arg16 : memref<!tpu.dma_semaphore, #tpu.memory_space<semaphore_mem>>)
      %dma_start3A_165 = arith.constant 7 : i32
      %dma_start3A_166 = arith.constant 896 : i32
      %dma_start3A_167 = arith.constant 0 : i32
      %dma_start3A_168 = tpu.memref_slice %arg14[%dma_start3A_166, %dma_start3A_167] : memref<1024x16xf32, #tpu.memory_space<vmem>> -> memref<128x16xf32, #tpu.memory_space<vmem>>
      %dma_start3A_169 = arith.constant 0 : i32
      %dma_start3A_170 = tpu.memref_slice %arg11[%dma_start3A_165, %dma_start3A_169] : memref<8x128xi32, #tpu.memory_space<vmem>> -> memref<1x128xi32, #tpu.memory_space<vmem>>
      %dma_start3A_171 = tpu.memref_squeeze %dma_start3A_170 : memref<1x128xi32, #tpu.memory_space<vmem>> -> memref<128xi32, #tpu.memory_space<vmem>>
      %dma_start3A_172 = arith.constant 0 : i32
      %dma_start3A_173 = arith.constant 0 : i32
      %dma_start3A_174 = tpu.memref_slice %arg2[%dma_start3A_172, %dma_start3A_173] : memref<676000x16xf32, #tpu.memory_space<hbm>> -> memref<676000x16xf32, #tpu.memory_space<hbm>>
      tpu.enqueue_indirect_dma source(%dma_start3A_174 : memref<676000x16xf32, #tpu.memory_space<hbm>>) target(%dma_start3A_168 : memref<128x16xf32, #tpu.memory_space<vmem>>) offsets(%dma_start3A_171 : memref<128xi32, #tpu.memory_space<vmem>>) semaphore(%arg17 : memref<!tpu.dma_semaphore, #tpu.memory_space<semaphore_mem>>)
      %dma_wait3A = arith.constant 0 : i32
      %dma_wait3A_175 = arith.constant 0 : i32
      %dma_wait3A_176 = arith.constant 0 : i32
      %dma_wait3A_177 = tpu.memref_slice %arg13[%dma_wait3A_175, %dma_wait3A_176] : memref<1024x16xf32, #tpu.memory_space<vmem>> -> memref<128x16xf32, #tpu.memory_space<vmem>>
      %dma_wait3A_178 = arith.constant 0 : i32
      %dma_wait3A_179 = tpu.memref_slice %arg10[%dma_wait3A, %dma_wait3A_178] : memref<8x128xi32, #tpu.memory_space<vmem>> -> memref<1x128xi32, #tpu.memory_space<vmem>>
      %dma_wait3A_180 = tpu.memref_squeeze %dma_wait3A_179 : memref<1x128xi32, #tpu.memory_space<vmem>> -> memref<128xi32, #tpu.memory_space<vmem>>
      %dma_wait3A_181 = arith.constant 0 : i32
      %dma_wait3A_182 = arith.constant 0 : i32
      %dma_wait3A_183 = tpu.memref_slice %arg2[%dma_wait3A_181, %dma_wait3A_182] : memref<676000x16xf32, #tpu.memory_space<hbm>> -> memref<676000x16xf32, #tpu.memory_space<hbm>>
      tpu.wait_indirect_dma semaphore(%arg16 : memref<!tpu.dma_semaphore, #tpu.memory_space<semaphore_mem>>) src(%dma_wait3A_183 : memref<676000x16xf32, #tpu.memory_space<hbm>>) dst(%dma_wait3A_177 : memref<128x16xf32, #tpu.memory_space<vmem>>)
      %dma_wait3A_184 = arith.constant 0 : i32
      %dma_wait3A_185 = arith.constant 0 : i32
      %dma_wait3A_186 = arith.constant 0 : i32
      %dma_wait3A_187 = tpu.memref_slice %arg14[%dma_wait3A_185, %dma_wait3A_186] : memref<1024x16xf32, #tpu.memory_space<vmem>> -> memref<128x16xf32, #tpu.memory_space<vmem>>
      %dma_wait3A_188 = arith.constant 0 : i32
      %dma_wait3A_189 = tpu.memref_slice %arg11[%dma_wait3A_184, %dma_wait3A_188] : memref<8x128xi32, #tpu.memory_space<vmem>> -> memref<1x128xi32, #tpu.memory_space<vmem>>
      %dma_wait3A_190 = tpu.memref_squeeze %dma_wait3A_189 : memref<1x128xi32, #tpu.memory_space<vmem>> -> memref<128xi32, #tpu.memory_space<vmem>>
      %dma_wait3A_191 = arith.constant 0 : i32
      %dma_wait3A_192 = arith.constant 0 : i32
      %dma_wait3A_193 = tpu.memref_slice %arg2[%dma_wait3A_191, %dma_wait3A_192] : memref<676000x16xf32, #tpu.memory_space<hbm>> -> memref<676000x16xf32, #tpu.memory_space<hbm>>
      tpu.wait_indirect_dma semaphore(%arg17 : memref<!tpu.dma_semaphore, #tpu.memory_space<semaphore_mem>>) src(%dma_wait3A_193 : memref<676000x16xf32, #tpu.memory_space<hbm>>) dst(%dma_wait3A_187 : memref<128x16xf32, #tpu.memory_space<vmem>>)
      %dma_wait3A_194 = arith.constant 1 : i32
      %dma_wait3A_195 = arith.constant 128 : i32
      %dma_wait3A_196 = arith.constant 0 : i32
      %dma_wait3A_197 = tpu.memref_slice %arg13[%dma_wait3A_195, %dma_wait3A_196] : memref<1024x16xf32, #tpu.memory_space<vmem>> -> memref<128x16xf32, #tpu.memory_space<vmem>>
      %dma_wait3A_198 = arith.constant 0 : i32
      %dma_wait3A_199 = tpu.memref_slice %arg10[%dma_wait3A_194, %dma_wait3A_198] : memref<8x128xi32, #tpu.memory_space<vmem>> -> memref<1x128xi32, #tpu.memory_space<vmem>>
      %dma_wait3A_200 = tpu.memref_squeeze %dma_wait3A_199 : memref<1x128xi32, #tpu.memory_space<vmem>> -> memref<128xi32, #tpu.memory_space<vmem>>
      %dma_wait3A_201 = arith.constant 0 : i32
      %dma_wait3A_202 = arith.constant 0 : i32
      %dma_wait3A_203 = tpu.memref_slice %arg2[%dma_wait3A_201, %dma_wait3A_202] : memref<676000x16xf32, #tpu.memory_space<hbm>> -> memref<676000x16xf32, #tpu.memory_space<hbm>>
      tpu.wait_indirect_dma semaphore(%arg16 : memref<!tpu.dma_semaphore, #tpu.memory_space<semaphore_mem>>) src(%dma_wait3A_203 : memref<676000x16xf32, #tpu.memory_space<hbm>>) dst(%dma_wait3A_197 : memref<128x16xf32, #tpu.memory_space<vmem>>)
      %dma_wait3A_204 = arith.constant 1 : i32
      %dma_wait3A_205 = arith.constant 128 : i32
      %dma_wait3A_206 = arith.constant 0 : i32
      %dma_wait3A_207 = tpu.memref_slice %arg14[%dma_wait3A_205, %dma_wait3A_206] : memref<1024x16xf32, #tpu.memory_space<vmem>> -> memref<128x16xf32, #tpu.memory_space<vmem>>
      %dma_wait3A_208 = arith.constant 0 : i32
      %dma_wait3A_209 = tpu.memref_slice %arg11[%dma_wait3A_204, %dma_wait3A_208] : memref<8x128xi32, #tpu.memory_space<vmem>> -> memref<1x128xi32, #tpu.memory_space<vmem>>
      %dma_wait3A_210 = tpu.memref_squeeze %dma_wait3A_209 : memref<1x128xi32, #tpu.memory_space<vmem>> -> memref<128xi32, #tpu.memory_space<vmem>>
      %dma_wait3A_211 = arith.constant 0 : i32
      %dma_wait3A_212 = arith.constant 0 : i32
      %dma_wait3A_213 = tpu.memref_slice %arg2[%dma_wait3A_211, %dma_wait3A_212] : memref<676000x16xf32, #tpu.memory_space<hbm>> -> memref<676000x16xf32, #tpu.memory_space<hbm>>
      tpu.wait_indirect_dma semaphore(%arg17 : memref<!tpu.dma_semaphore, #tpu.memory_space<semaphore_mem>>) src(%dma_wait3A_213 : memref<676000x16xf32, #tpu.memory_space<hbm>>) dst(%dma_wait3A_207 : memref<128x16xf32, #tpu.memory_space<vmem>>)
      %dma_wait3A_214 = arith.constant 2 : i32
      %dma_wait3A_215 = arith.constant 256 : i32
      %dma_wait3A_216 = arith.constant 0 : i32
      %dma_wait3A_217 = tpu.memref_slice %arg13[%dma_wait3A_215, %dma_wait3A_216] : memref<1024x16xf32, #tpu.memory_space<vmem>> -> memref<128x16xf32, #tpu.memory_space<vmem>>
      %dma_wait3A_218 = arith.constant 0 : i32
      %dma_wait3A_219 = tpu.memref_slice %arg10[%dma_wait3A_214, %dma_wait3A_218] : memref<8x128xi32, #tpu.memory_space<vmem>> -> memref<1x128xi32, #tpu.memory_space<vmem>>
      %dma_wait3A_220 = tpu.memref_squeeze %dma_wait3A_219 : memref<1x128xi32, #tpu.memory_space<vmem>> -> memref<128xi32, #tpu.memory_space<vmem>>
      %dma_wait3A_221 = arith.constant 0 : i32
      %dma_wait3A_222 = arith.constant 0 : i32
      %dma_wait3A_223 = tpu.memref_slice %arg2[%dma_wait3A_221, %dma_wait3A_222] : memref<676000x16xf32, #tpu.memory_space<hbm>> -> memref<676000x16xf32, #tpu.memory_space<hbm>>
      tpu.wait_indirect_dma semaphore(%arg16 : memref<!tpu.dma_semaphore, #tpu.memory_space<semaphore_mem>>) src(%dma_wait3A_223 : memref<676000x16xf32, #tpu.memory_space<hbm>>) dst(%dma_wait3A_217 : memref<128x16xf32, #tpu.memory_space<vmem>>)
      %dma_wait3A_224 = arith.constant 2 : i32
      %dma_wait3A_225 = arith.constant 256 : i32
      %dma_wait3A_226 = arith.constant 0 : i32
      %dma_wait3A_227 = tpu.memref_slice %arg14[%dma_wait3A_225, %dma_wait3A_226] : memref<1024x16xf32, #tpu.memory_space<vmem>> -> memref<128x16xf32, #tpu.memory_space<vmem>>
      %dma_wait3A_228 = arith.constant 0 : i32
      %dma_wait3A_229 = tpu.memref_slice %arg11[%dma_wait3A_224, %dma_wait3A_228] : memref<8x128xi32, #tpu.memory_space<vmem>> -> memref<1x128xi32, #tpu.memory_space<vmem>>
      %dma_wait3A_230 = tpu.memref_squeeze %dma_wait3A_229 : memref<1x128xi32, #tpu.memory_space<vmem>> -> memref<128xi32, #tpu.memory_space<vmem>>
      %dma_wait3A_231 = arith.constant 0 : i32
      %dma_wait3A_232 = arith.constant 0 : i32
      %dma_wait3A_233 = tpu.memref_slice %arg2[%dma_wait3A_231, %dma_wait3A_232] : memref<676000x16xf32, #tpu.memory_space<hbm>> -> memref<676000x16xf32, #tpu.memory_space<hbm>>
      tpu.wait_indirect_dma semaphore(%arg17 : memref<!tpu.dma_semaphore, #tpu.memory_space<semaphore_mem>>) src(%dma_wait3A_233 : memref<676000x16xf32, #tpu.memory_space<hbm>>) dst(%dma_wait3A_227 : memref<128x16xf32, #tpu.memory_space<vmem>>)
      %dma_wait3A_234 = arith.constant 3 : i32
      %dma_wait3A_235 = arith.constant 384 : i32
      %dma_wait3A_236 = arith.constant 0 : i32
      %dma_wait3A_237 = tpu.memref_slice %arg13[%dma_wait3A_235, %dma_wait3A_236] : memref<1024x16xf32, #tpu.memory_space<vmem>> -> memref<128x16xf32, #tpu.memory_space<vmem>>
      %dma_wait3A_238 = arith.constant 0 : i32
      %dma_wait3A_239 = tpu.memref_slice %arg10[%dma_wait3A_234, %dma_wait3A_238] : memref<8x128xi32, #tpu.memory_space<vmem>> -> memref<1x128xi32, #tpu.memory_space<vmem>>
      %dma_wait3A_240 = tpu.memref_squeeze %dma_wait3A_239 : memref<1x128xi32, #tpu.memory_space<vmem>> -> memref<128xi32, #tpu.memory_space<vmem>>
      %dma_wait3A_241 = arith.constant 0 : i32
      %dma_wait3A_242 = arith.constant 0 : i32
      %dma_wait3A_243 = tpu.memref_slice %arg2[%dma_wait3A_241, %dma_wait3A_242] : memref<676000x16xf32, #tpu.memory_space<hbm>> -> memref<676000x16xf32, #tpu.memory_space<hbm>>
      tpu.wait_indirect_dma semaphore(%arg16 : memref<!tpu.dma_semaphore, #tpu.memory_space<semaphore_mem>>) src(%dma_wait3A_243 : memref<676000x16xf32, #tpu.memory_space<hbm>>) dst(%dma_wait3A_237 : memref<128x16xf32, #tpu.memory_space<vmem>>)
      %dma_wait3A_244 = arith.constant 3 : i32
      %dma_wait3A_245 = arith.constant 384 : i32
      %dma_wait3A_246 = arith.constant 0 : i32
      %dma_wait3A_247 = tpu.memref_slice %arg14[%dma_wait3A_245, %dma_wait3A_246] : memref<1024x16xf32, #tpu.memory_space<vmem>> -> memref<128x16xf32, #tpu.memory_space<vmem>>
      %dma_wait3A_248 = arith.constant 0 : i32
      %dma_wait3A_249 = tpu.memref_slice %arg11[%dma_wait3A_244, %dma_wait3A_248] : memref<8x128xi32, #tpu.memory_space<vmem>> -> memref<1x128xi32, #tpu.memory_space<vmem>>
      %dma_wait3A_250 = tpu.memref_squeeze %dma_wait3A_249 : memref<1x128xi32, #tpu.memory_space<vmem>> -> memref<128xi32, #tpu.memory_space<vmem>>
      %dma_wait3A_251 = arith.constant 0 : i32
      %dma_wait3A_252 = arith.constant 0 : i32
      %dma_wait3A_253 = tpu.memref_slice %arg2[%dma_wait3A_251, %dma_wait3A_252] : memref<676000x16xf32, #tpu.memory_space<hbm>> -> memref<676000x16xf32, #tpu.memory_space<hbm>>
      tpu.wait_indirect_dma semaphore(%arg17 : memref<!tpu.dma_semaphore, #tpu.memory_space<semaphore_mem>>) src(%dma_wait3A_253 : memref<676000x16xf32, #tpu.memory_space<hbm>>) dst(%dma_wait3A_247 : memref<128x16xf32, #tpu.memory_space<vmem>>)
      %dma_wait3A_254 = arith.constant 4 : i32
      %dma_wait3A_255 = arith.constant 512 : i32
      %dma_wait3A_256 = arith.constant 0 : i32
      %dma_wait3A_257 = tpu.memref_slice %arg13[%dma_wait3A_255, %dma_wait3A_256] : memref<1024x16xf32, #tpu.memory_space<vmem>> -> memref<128x16xf32, #tpu.memory_space<vmem>>
      %dma_wait3A_258 = arith.constant 0 : i32
      %dma_wait3A_259 = tpu.memref_slice %arg10[%dma_wait3A_254, %dma_wait3A_258] : memref<8x128xi32, #tpu.memory_space<vmem>> -> memref<1x128xi32, #tpu.memory_space<vmem>>
      %dma_wait3A_260 = tpu.memref_squeeze %dma_wait3A_259 : memref<1x128xi32, #tpu.memory_space<vmem>> -> memref<128xi32, #tpu.memory_space<vmem>>
      %dma_wait3A_261 = arith.constant 0 : i32
      %dma_wait3A_262 = arith.constant 0 : i32
      %dma_wait3A_263 = tpu.memref_slice %arg2[%dma_wait3A_261, %dma_wait3A_262] : memref<676000x16xf32, #tpu.memory_space<hbm>> -> memref<676000x16xf32, #tpu.memory_space<hbm>>
      tpu.wait_indirect_dma semaphore(%arg16 : memref<!tpu.dma_semaphore, #tpu.memory_space<semaphore_mem>>) src(%dma_wait3A_263 : memref<676000x16xf32, #tpu.memory_space<hbm>>) dst(%dma_wait3A_257 : memref<128x16xf32, #tpu.memory_space<vmem>>)
      %dma_wait3A_264 = arith.constant 4 : i32
      %dma_wait3A_265 = arith.constant 512 : i32
      %dma_wait3A_266 = arith.constant 0 : i32
      %dma_wait3A_267 = tpu.memref_slice %arg14[%dma_wait3A_265, %dma_wait3A_266] : memref<1024x16xf32, #tpu.memory_space<vmem>> -> memref<128x16xf32, #tpu.memory_space<vmem>>
      %dma_wait3A_268 = arith.constant 0 : i32
      %dma_wait3A_269 = tpu.memref_slice %arg11[%dma_wait3A_264, %dma_wait3A_268] : memref<8x128xi32, #tpu.memory_space<vmem>> -> memref<1x128xi32, #tpu.memory_space<vmem>>
      %dma_wait3A_270 = tpu.memref_squeeze %dma_wait3A_269 : memref<1x128xi32, #tpu.memory_space<vmem>> -> memref<128xi32, #tpu.memory_space<vmem>>
      %dma_wait3A_271 = arith.constant 0 : i32
      %dma_wait3A_272 = arith.constant 0 : i32
      %dma_wait3A_273 = tpu.memref_slice %arg2[%dma_wait3A_271, %dma_wait3A_272] : memref<676000x16xf32, #tpu.memory_space<hbm>> -> memref<676000x16xf32, #tpu.memory_space<hbm>>
      tpu.wait_indirect_dma semaphore(%arg17 : memref<!tpu.dma_semaphore, #tpu.memory_space<semaphore_mem>>) src(%dma_wait3A_273 : memref<676000x16xf32, #tpu.memory_space<hbm>>) dst(%dma_wait3A_267 : memref<128x16xf32, #tpu.memory_space<vmem>>)
      %dma_wait3A_274 = arith.constant 5 : i32
      %dma_wait3A_275 = arith.constant 640 : i32
      %dma_wait3A_276 = arith.constant 0 : i32
      %dma_wait3A_277 = tpu.memref_slice %arg13[%dma_wait3A_275, %dma_wait3A_276] : memref<1024x16xf32, #tpu.memory_space<vmem>> -> memref<128x16xf32, #tpu.memory_space<vmem>>
      %dma_wait3A_278 = arith.constant 0 : i32
      %dma_wait3A_279 = tpu.memref_slice %arg10[%dma_wait3A_274, %dma_wait3A_278] : memref<8x128xi32, #tpu.memory_space<vmem>> -> memref<1x128xi32, #tpu.memory_space<vmem>>
      %dma_wait3A_280 = tpu.memref_squeeze %dma_wait3A_279 : memref<1x128xi32, #tpu.memory_space<vmem>> -> memref<128xi32, #tpu.memory_space<vmem>>
      %dma_wait3A_281 = arith.constant 0 : i32
      %dma_wait3A_282 = arith.constant 0 : i32
      %dma_wait3A_283 = tpu.memref_slice %arg2[%dma_wait3A_281, %dma_wait3A_282] : memref<676000x16xf32, #tpu.memory_space<hbm>> -> memref<676000x16xf32, #tpu.memory_space<hbm>>
      tpu.wait_indirect_dma semaphore(%arg16 : memref<!tpu.dma_semaphore, #tpu.memory_space<semaphore_mem>>) src(%dma_wait3A_283 : memref<676000x16xf32, #tpu.memory_space<hbm>>) dst(%dma_wait3A_277 : memref<128x16xf32, #tpu.memory_space<vmem>>)
      %dma_wait3A_284 = arith.constant 5 : i32
      %dma_wait3A_285 = arith.constant 640 : i32
      %dma_wait3A_286 = arith.constant 0 : i32
      %dma_wait3A_287 = tpu.memref_slice %arg14[%dma_wait3A_285, %dma_wait3A_286] : memref<1024x16xf32, #tpu.memory_space<vmem>> -> memref<128x16xf32, #tpu.memory_space<vmem>>
      %dma_wait3A_288 = arith.constant 0 : i32
      %dma_wait3A_289 = tpu.memref_slice %arg11[%dma_wait3A_284, %dma_wait3A_288] : memref<8x128xi32, #tpu.memory_space<vmem>> -> memref<1x128xi32, #tpu.memory_space<vmem>>
      %dma_wait3A_290 = tpu.memref_squeeze %dma_wait3A_289 : memref<1x128xi32, #tpu.memory_space<vmem>> -> memref<128xi32, #tpu.memory_space<vmem>>
      %dma_wait3A_291 = arith.constant 0 : i32
      %dma_wait3A_292 = arith.constant 0 : i32
      %dma_wait3A_293 = tpu.memref_slice %arg2[%dma_wait3A_291, %dma_wait3A_292] : memref<676000x16xf32, #tpu.memory_space<hbm>> -> memref<676000x16xf32, #tpu.memory_space<hbm>>
      tpu.wait_indirect_dma semaphore(%arg17 : memref<!tpu.dma_semaphore, #tpu.memory_space<semaphore_mem>>) src(%dma_wait3A_293 : memref<676000x16xf32, #tpu.memory_space<hbm>>) dst(%dma_wait3A_287 : memref<128x16xf32, #tpu.memory_space<vmem>>)
      %dma_wait3A_294 = arith.constant 6 : i32
      %dma_wait3A_295 = arith.constant 768 : i32
      %dma_wait3A_296 = arith.constant 0 : i32
      %dma_wait3A_297 = tpu.memref_slice %arg13[%dma_wait3A_295, %dma_wait3A_296] : memref<1024x16xf32, #tpu.memory_space<vmem>> -> memref<128x16xf32, #tpu.memory_space<vmem>>
      %dma_wait3A_298 = arith.constant 0 : i32
      %dma_wait3A_299 = tpu.memref_slice %arg10[%dma_wait3A_294, %dma_wait3A_298] : memref<8x128xi32, #tpu.memory_space<vmem>> -> memref<1x128xi32, #tpu.memory_space<vmem>>
      %dma_wait3A_300 = tpu.memref_squeeze %dma_wait3A_299 : memref<1x128xi32, #tpu.memory_space<vmem>> -> memref<128xi32, #tpu.memory_space<vmem>>
      %dma_wait3A_301 = arith.constant 0 : i32
      %dma_wait3A_302 = arith.constant 0 : i32
      %dma_wait3A_303 = tpu.memref_slice %arg2[%dma_wait3A_301, %dma_wait3A_302] : memref<676000x16xf32, #tpu.memory_space<hbm>> -> memref<676000x16xf32, #tpu.memory_space<hbm>>
      tpu.wait_indirect_dma semaphore(%arg16 : memref<!tpu.dma_semaphore, #tpu.memory_space<semaphore_mem>>) src(%dma_wait3A_303 : memref<676000x16xf32, #tpu.memory_space<hbm>>) dst(%dma_wait3A_297 : memref<128x16xf32, #tpu.memory_space<vmem>>)
      %dma_wait3A_304 = arith.constant 6 : i32
      %dma_wait3A_305 = arith.constant 768 : i32
      %dma_wait3A_306 = arith.constant 0 : i32
      %dma_wait3A_307 = tpu.memref_slice %arg14[%dma_wait3A_305, %dma_wait3A_306] : memref<1024x16xf32, #tpu.memory_space<vmem>> -> memref<128x16xf32, #tpu.memory_space<vmem>>
      %dma_wait3A_308 = arith.constant 0 : i32
      %dma_wait3A_309 = tpu.memref_slice %arg11[%dma_wait3A_304, %dma_wait3A_308] : memref<8x128xi32, #tpu.memory_space<vmem>> -> memref<1x128xi32, #tpu.memory_space<vmem>>
      %dma_wait3A_310 = tpu.memref_squeeze %dma_wait3A_309 : memref<1x128xi32, #tpu.memory_space<vmem>> -> memref<128xi32, #tpu.memory_space<vmem>>
      %dma_wait3A_311 = arith.constant 0 : i32
      %dma_wait3A_312 = arith.constant 0 : i32
      %dma_wait3A_313 = tpu.memref_slice %arg2[%dma_wait3A_311, %dma_wait3A_312] : memref<676000x16xf32, #tpu.memory_space<hbm>> -> memref<676000x16xf32, #tpu.memory_space<hbm>>
      tpu.wait_indirect_dma semaphore(%arg17 : memref<!tpu.dma_semaphore, #tpu.memory_space<semaphore_mem>>) src(%dma_wait3A_313 : memref<676000x16xf32, #tpu.memory_space<hbm>>) dst(%dma_wait3A_307 : memref<128x16xf32, #tpu.memory_space<vmem>>)
      %dma_wait3A_314 = arith.constant 7 : i32
      %dma_wait3A_315 = arith.constant 896 : i32
      %dma_wait3A_316 = arith.constant 0 : i32
      %dma_wait3A_317 = tpu.memref_slice %arg13[%dma_wait3A_315, %dma_wait3A_316] : memref<1024x16xf32, #tpu.memory_space<vmem>> -> memref<128x16xf32, #tpu.memory_space<vmem>>
      %dma_wait3A_318 = arith.constant 0 : i32
      %dma_wait3A_319 = tpu.memref_slice %arg10[%dma_wait3A_314, %dma_wait3A_318] : memref<8x128xi32, #tpu.memory_space<vmem>> -> memref<1x128xi32, #tpu.memory_space<vmem>>
      %dma_wait3A_320 = tpu.memref_squeeze %dma_wait3A_319 : memref<1x128xi32, #tpu.memory_space<vmem>> -> memref<128xi32, #tpu.memory_space<vmem>>
      %dma_wait3A_321 = arith.constant 0 : i32
      %dma_wait3A_322 = arith.constant 0 : i32
      %dma_wait3A_323 = tpu.memref_slice %arg2[%dma_wait3A_321, %dma_wait3A_322] : memref<676000x16xf32, #tpu.memory_space<hbm>> -> memref<676000x16xf32, #tpu.memory_space<hbm>>
      tpu.wait_indirect_dma semaphore(%arg16 : memref<!tpu.dma_semaphore, #tpu.memory_space<semaphore_mem>>) src(%dma_wait3A_323 : memref<676000x16xf32, #tpu.memory_space<hbm>>) dst(%dma_wait3A_317 : memref<128x16xf32, #tpu.memory_space<vmem>>)
      %dma_wait3A_324 = arith.constant 7 : i32
      %dma_wait3A_325 = arith.constant 896 : i32
      %dma_wait3A_326 = arith.constant 0 : i32
      %dma_wait3A_327 = tpu.memref_slice %arg14[%dma_wait3A_325, %dma_wait3A_326] : memref<1024x16xf32, #tpu.memory_space<vmem>> -> memref<128x16xf32, #tpu.memory_space<vmem>>
      %dma_wait3A_328 = arith.constant 0 : i32
      %dma_wait3A_329 = tpu.memref_slice %arg11[%dma_wait3A_324, %dma_wait3A_328] : memref<8x128xi32, #tpu.memory_space<vmem>> -> memref<1x128xi32, #tpu.memory_space<vmem>>
      %dma_wait3A_330 = tpu.memref_squeeze %dma_wait3A_329 : memref<1x128xi32, #tpu.memory_space<vmem>> -> memref<128xi32, #tpu.memory_space<vmem>>
      %dma_wait3A_331 = arith.constant 0 : i32
      %dma_wait3A_332 = arith.constant 0 : i32
      %dma_wait3A_333 = tpu.memref_slice %arg2[%dma_wait3A_331, %dma_wait3A_332] : memref<676000x16xf32, #tpu.memory_space<hbm>> -> memref<676000x16xf32, #tpu.memory_space<hbm>>
      tpu.wait_indirect_dma semaphore(%arg17 : memref<!tpu.dma_semaphore, #tpu.memory_space<semaphore_mem>>) src(%dma_wait3A_333 : memref<676000x16xf32, #tpu.memory_space<hbm>>) dst(%dma_wait3A_327 : memref<128x16xf32, #tpu.memory_space<vmem>>)
      %mul3A_334 = arith.constant 1024 : i32
      %mul3A_335 = arith.muli %add3A_15, %mul3A_334 : i32
      "tpu.region"() ({
        %run_scoped3A = tpu.sem_alloc : memref<!tpu.dma_semaphore, #tpu.memory_space<semaphore_mem>>
        %dma_start3A_338 = arith.constant 0 : i32
        %dma_start3A_339 = tpu.memref_slice %arg7[%mul3A_335, %dma_start3A_338] : memref<1343488x16xf32, #tpu.memory_space<hbm>> -> memref<1024x16xf32, #tpu.memory_space<hbm>>
        %dma_start3A_340 = arith.constant 0 : i32
        %dma_start3A_341 = tpu.memref_slice %arg7[%mul3A_335, %dma_start3A_340] : memref<1343488x16xf32, #tpu.memory_space<hbm>> -> memref<1024x16xf32, #tpu.memory_space<hbm>>
        tpu.enqueue_dma source(%arg13 : memref<1024x16xf32, #tpu.memory_space<vmem>>) target(%dma_start3A_341 : memref<1024x16xf32, #tpu.memory_space<hbm>>) target_semaphore(%run_scoped3A : memref<!tpu.dma_semaphore, #tpu.memory_space<semaphore_mem>>)
        %dma_wait3A_342 = arith.constant 0 : i32
        %dma_wait3A_343 = tpu.memref_slice %arg7[%mul3A_335, %dma_wait3A_342] : memref<1343488x16xf32, #tpu.memory_space<hbm>> -> memref<1024x16xf32, #tpu.memory_space<hbm>>
        %dma_wait3A_344 = arith.constant 0 : i32
        %dma_wait3A_345 = tpu.memref_slice %arg7[%mul3A_335, %dma_wait3A_344] : memref<1343488x16xf32, #tpu.memory_space<hbm>> -> memref<1024x16xf32, #tpu.memory_space<hbm>>
        tpu.wait_dma2 semaphore(%run_scoped3A : memref<!tpu.dma_semaphore, #tpu.memory_space<semaphore_mem>>) src(%arg13 : memref<1024x16xf32, #tpu.memory_space<vmem>>) dst(%dma_wait3A_345 : memref<1024x16xf32, #tpu.memory_space<hbm>>)
        tpu.yield
      }) : () -> ()
      %mul3A_336 = arith.constant 1024 : i32
      %mul3A_337 = arith.muli %add3A_15, %mul3A_336 : i32
      "tpu.region"() ({
        %run_scoped3A = tpu.sem_alloc : memref<!tpu.dma_semaphore, #tpu.memory_space<semaphore_mem>>
        %dma_start3A_338 = arith.constant 0 : i32
        %dma_start3A_339 = tpu.memref_slice %arg8[%mul3A_337, %dma_start3A_338] : memref<1343488x16xf32, #tpu.memory_space<hbm>> -> memref<1024x16xf32, #tpu.memory_space<hbm>>
        %dma_start3A_340 = arith.constant 0 : i32
        %dma_start3A_341 = tpu.memref_slice %arg8[%mul3A_337, %dma_start3A_340] : memref<1343488x16xf32, #tpu.memory_space<hbm>> -> memref<1024x16xf32, #tpu.memory_space<hbm>>
        tpu.enqueue_dma source(%arg14 : memref<1024x16xf32, #tpu.memory_space<vmem>>) target(%dma_start3A_341 : memref<1024x16xf32, #tpu.memory_space<hbm>>) target_semaphore(%run_scoped3A : memref<!tpu.dma_semaphore, #tpu.memory_space<semaphore_mem>>)
        %dma_wait3A_342 = arith.constant 0 : i32
        %dma_wait3A_343 = tpu.memref_slice %arg8[%mul3A_337, %dma_wait3A_342] : memref<1343488x16xf32, #tpu.memory_space<hbm>> -> memref<1024x16xf32, #tpu.memory_space<hbm>>
        %dma_wait3A_344 = arith.constant 0 : i32
        %dma_wait3A_345 = tpu.memref_slice %arg8[%mul3A_337, %dma_wait3A_344] : memref<1343488x16xf32, #tpu.memory_space<hbm>> -> memref<1024x16xf32, #tpu.memory_space<hbm>>
        tpu.wait_dma2 semaphore(%run_scoped3A : memref<!tpu.dma_semaphore, #tpu.memory_space<semaphore_mem>>) src(%arg14 : memref<1024x16xf32, #tpu.memory_space<vmem>>) dst(%dma_wait3A_345 : memref<1024x16xf32, #tpu.memory_space<hbm>>)
        tpu.yield
      }) : () -> ()
    }
    %scan3A_5 = arith.constant 41 : i32
    %scan3A_6 = arith.constant 0 : i32
    %scan3A_7 = arith.constant 0 : i32
    %scan3A_8 = arith.constant 4 : i32
    %scan3A_9 = arith.addi %scan3A_7, %scan3A_8 : i32
    %scan3A_10 = arith.constant 1 : i32
    scf.for %scan3A_12 = %scan3A_7 to %scan3A_9 step %scan3A_10  : i32 {
      %mul3A_13 = arith.constant 32 : i32
      %mul3A_14 = arith.muli %scan3A_12, %mul3A_13 : i32
      %add3A_15 = arith.addi %mul3A_14, %add3A : i32
      %lt3A = arith.constant 104 : i32
      %lt3A_16 = arith.cmpi slt, %add3A_15, %lt3A : i32
      %convert_element_type3A = arith.extui %lt3A_16 : i1 to i32
      %cond3A = arith.constant 0 : i32
      %cond3A_17 = arith.cmpi ne, %convert_element_type3A, %cond3A : i32
      scf.if %cond3A_17 {
        "tpu.region"() ({
          %run_scoped3A = tpu.sem_alloc : memref<!tpu.dma_semaphore, #tpu.memory_space<semaphore_mem>>
          %dma_start3A_178 = arith.constant 0 : i32
          %dma_start3A_179 = arith.constant 0 : i32
          %dma_start3A_180 = tpu.memref_slice %arg6[%add3A_15, %dma_start3A_178, %dma_start3A_179] : memref<104x8x128xi32, #tpu.memory_space<hbm>> -> memref<1x8x128xi32, #tpu.memory_space<hbm>>
          %dma_start3A_181 = tpu.memref_squeeze %dma_start3A_180 : memref<1x8x128xi32, #tpu.memory_space<hbm>> -> memref<8x128xi32, #tpu.memory_space<hbm>>
          %dma_start3A_182 = arith.constant 0 : i32
          %dma_start3A_183 = arith.constant 0 : i32
          %dma_start3A_184 = tpu.memref_slice %arg6[%add3A_15, %dma_start3A_182, %dma_start3A_183] : memref<104x8x128xi32, #tpu.memory_space<hbm>> -> memref<1x8x128xi32, #tpu.memory_space<hbm>>
          %dma_start3A_185 = tpu.memref_squeeze %dma_start3A_184 : memref<1x8x128xi32, #tpu.memory_space<hbm>> -> memref<8x128xi32, #tpu.memory_space<hbm>>
          tpu.enqueue_dma source(%dma_start3A_185 : memref<8x128xi32, #tpu.memory_space<hbm>>) target(%arg12 : memref<8x128xi32, #tpu.memory_space<vmem>>) target_semaphore(%run_scoped3A : memref<!tpu.dma_semaphore, #tpu.memory_space<semaphore_mem>>)
          %dma_wait3A_186 = arith.constant 0 : i32
          %dma_wait3A_187 = arith.constant 0 : i32
          %dma_wait3A_188 = tpu.memref_slice %arg6[%add3A_15, %dma_wait3A_186, %dma_wait3A_187] : memref<104x8x128xi32, #tpu.memory_space<hbm>> -> memref<1x8x128xi32, #tpu.memory_space<hbm>>
          %dma_wait3A_189 = tpu.memref_squeeze %dma_wait3A_188 : memref<1x8x128xi32, #tpu.memory_space<hbm>> -> memref<8x128xi32, #tpu.memory_space<hbm>>
          %dma_wait3A_190 = arith.constant 0 : i32
          %dma_wait3A_191 = arith.constant 0 : i32
          %dma_wait3A_192 = tpu.memref_slice %arg6[%add3A_15, %dma_wait3A_190, %dma_wait3A_191] : memref<104x8x128xi32, #tpu.memory_space<hbm>> -> memref<1x8x128xi32, #tpu.memory_space<hbm>>
          %dma_wait3A_193 = tpu.memref_squeeze %dma_wait3A_192 : memref<1x8x128xi32, #tpu.memory_space<hbm>> -> memref<8x128xi32, #tpu.memory_space<hbm>>
          tpu.wait_dma2 semaphore(%run_scoped3A : memref<!tpu.dma_semaphore, #tpu.memory_space<semaphore_mem>>) src(%dma_wait3A_193 : memref<8x128xi32, #tpu.memory_space<hbm>>) dst(%arg12 : memref<8x128xi32, #tpu.memory_space<vmem>>)
          tpu.yield
        }) : () -> ()
        %dma_start3A = arith.constant 0 : i32
        %dma_start3A_18 = arith.constant 0 : i32
        %dma_start3A_19 = arith.constant 0 : i32
        %dma_start3A_20 = tpu.memref_slice %arg15[%dma_start3A_18, %dma_start3A_19] : memref<1024x16xf32, #tpu.memory_space<vmem>> -> memref<128x16xf32, #tpu.memory_space<vmem>>
        %dma_start3A_21 = arith.constant 0 : i32
        %dma_start3A_22 = tpu.memref_slice %arg12[%dma_start3A, %dma_start3A_21] : memref<8x128xi32, #tpu.memory_space<vmem>> -> memref<1x128xi32, #tpu.memory_space<vmem>>
        %dma_start3A_23 = tpu.memref_squeeze %dma_start3A_22 : memref<1x128xi32, #tpu.memory_space<vmem>> -> memref<128xi32, #tpu.memory_space<vmem>>
        %dma_start3A_24 = arith.constant 0 : i32
        %dma_start3A_25 = arith.constant 0 : i32
        %dma_start3A_26 = tpu.memref_slice %arg3[%dma_start3A_24, %dma_start3A_25] : memref<26000x16xf32, #tpu.memory_space<hbm>> -> memref<26000x16xf32, #tpu.memory_space<hbm>>
        tpu.enqueue_indirect_dma source(%dma_start3A_26 : memref<26000x16xf32, #tpu.memory_space<hbm>>) target(%dma_start3A_20 : memref<128x16xf32, #tpu.memory_space<vmem>>) offsets(%dma_start3A_23 : memref<128xi32, #tpu.memory_space<vmem>>) semaphore(%arg18 : memref<!tpu.dma_semaphore, #tpu.memory_space<semaphore_mem>>)
        %dma_start3A_27 = arith.constant 1 : i32
        %dma_start3A_28 = arith.constant 128 : i32
        %dma_start3A_29 = arith.constant 0 : i32
        %dma_start3A_30 = tpu.memref_slice %arg15[%dma_start3A_28, %dma_start3A_29] : memref<1024x16xf32, #tpu.memory_space<vmem>> -> memref<128x16xf32, #tpu.memory_space<vmem>>
        %dma_start3A_31 = arith.constant 0 : i32
        %dma_start3A_32 = tpu.memref_slice %arg12[%dma_start3A_27, %dma_start3A_31] : memref<8x128xi32, #tpu.memory_space<vmem>> -> memref<1x128xi32, #tpu.memory_space<vmem>>
        %dma_start3A_33 = tpu.memref_squeeze %dma_start3A_32 : memref<1x128xi32, #tpu.memory_space<vmem>> -> memref<128xi32, #tpu.memory_space<vmem>>
        %dma_start3A_34 = arith.constant 0 : i32
        %dma_start3A_35 = arith.constant 0 : i32
        %dma_start3A_36 = tpu.memref_slice %arg3[%dma_start3A_34, %dma_start3A_35] : memref<26000x16xf32, #tpu.memory_space<hbm>> -> memref<26000x16xf32, #tpu.memory_space<hbm>>
        tpu.enqueue_indirect_dma source(%dma_start3A_36 : memref<26000x16xf32, #tpu.memory_space<hbm>>) target(%dma_start3A_30 : memref<128x16xf32, #tpu.memory_space<vmem>>) offsets(%dma_start3A_33 : memref<128xi32, #tpu.memory_space<vmem>>) semaphore(%arg18 : memref<!tpu.dma_semaphore, #tpu.memory_space<semaphore_mem>>)
        %dma_start3A_37 = arith.constant 2 : i32
        %dma_start3A_38 = arith.constant 256 : i32
        %dma_start3A_39 = arith.constant 0 : i32
        %dma_start3A_40 = tpu.memref_slice %arg15[%dma_start3A_38, %dma_start3A_39] : memref<1024x16xf32, #tpu.memory_space<vmem>> -> memref<128x16xf32, #tpu.memory_space<vmem>>
        %dma_start3A_41 = arith.constant 0 : i32
        %dma_start3A_42 = tpu.memref_slice %arg12[%dma_start3A_37, %dma_start3A_41] : memref<8x128xi32, #tpu.memory_space<vmem>> -> memref<1x128xi32, #tpu.memory_space<vmem>>
        %dma_start3A_43 = tpu.memref_squeeze %dma_start3A_42 : memref<1x128xi32, #tpu.memory_space<vmem>> -> memref<128xi32, #tpu.memory_space<vmem>>
        %dma_start3A_44 = arith.constant 0 : i32
        %dma_start3A_45 = arith.constant 0 : i32
        %dma_start3A_46 = tpu.memref_slice %arg3[%dma_start3A_44, %dma_start3A_45] : memref<26000x16xf32, #tpu.memory_space<hbm>> -> memref<26000x16xf32, #tpu.memory_space<hbm>>
        tpu.enqueue_indirect_dma source(%dma_start3A_46 : memref<26000x16xf32, #tpu.memory_space<hbm>>) target(%dma_start3A_40 : memref<128x16xf32, #tpu.memory_space<vmem>>) offsets(%dma_start3A_43 : memref<128xi32, #tpu.memory_space<vmem>>) semaphore(%arg18 : memref<!tpu.dma_semaphore, #tpu.memory_space<semaphore_mem>>)
        %dma_start3A_47 = arith.constant 3 : i32
        %dma_start3A_48 = arith.constant 384 : i32
        %dma_start3A_49 = arith.constant 0 : i32
        %dma_start3A_50 = tpu.memref_slice %arg15[%dma_start3A_48, %dma_start3A_49] : memref<1024x16xf32, #tpu.memory_space<vmem>> -> memref<128x16xf32, #tpu.memory_space<vmem>>
        %dma_start3A_51 = arith.constant 0 : i32
        %dma_start3A_52 = tpu.memref_slice %arg12[%dma_start3A_47, %dma_start3A_51] : memref<8x128xi32, #tpu.memory_space<vmem>> -> memref<1x128xi32, #tpu.memory_space<vmem>>
        %dma_start3A_53 = tpu.memref_squeeze %dma_start3A_52 : memref<1x128xi32, #tpu.memory_space<vmem>> -> memref<128xi32, #tpu.memory_space<vmem>>
        %dma_start3A_54 = arith.constant 0 : i32
        %dma_start3A_55 = arith.constant 0 : i32
        %dma_start3A_56 = tpu.memref_slice %arg3[%dma_start3A_54, %dma_start3A_55] : memref<26000x16xf32, #tpu.memory_space<hbm>> -> memref<26000x16xf32, #tpu.memory_space<hbm>>
        tpu.enqueue_indirect_dma source(%dma_start3A_56 : memref<26000x16xf32, #tpu.memory_space<hbm>>) target(%dma_start3A_50 : memref<128x16xf32, #tpu.memory_space<vmem>>) offsets(%dma_start3A_53 : memref<128xi32, #tpu.memory_space<vmem>>) semaphore(%arg18 : memref<!tpu.dma_semaphore, #tpu.memory_space<semaphore_mem>>)
        %dma_start3A_57 = arith.constant 4 : i32
        %dma_start3A_58 = arith.constant 512 : i32
        %dma_start3A_59 = arith.constant 0 : i32
        %dma_start3A_60 = tpu.memref_slice %arg15[%dma_start3A_58, %dma_start3A_59] : memref<1024x16xf32, #tpu.memory_space<vmem>> -> memref<128x16xf32, #tpu.memory_space<vmem>>
        %dma_start3A_61 = arith.constant 0 : i32
        %dma_start3A_62 = tpu.memref_slice %arg12[%dma_start3A_57, %dma_start3A_61] : memref<8x128xi32, #tpu.memory_space<vmem>> -> memref<1x128xi32, #tpu.memory_space<vmem>>
        %dma_start3A_63 = tpu.memref_squeeze %dma_start3A_62 : memref<1x128xi32, #tpu.memory_space<vmem>> -> memref<128xi32, #tpu.memory_space<vmem>>
        %dma_start3A_64 = arith.constant 0 : i32
        %dma_start3A_65 = arith.constant 0 : i32
        %dma_start3A_66 = tpu.memref_slice %arg3[%dma_start3A_64, %dma_start3A_65] : memref<26000x16xf32, #tpu.memory_space<hbm>> -> memref<26000x16xf32, #tpu.memory_space<hbm>>
        tpu.enqueue_indirect_dma source(%dma_start3A_66 : memref<26000x16xf32, #tpu.memory_space<hbm>>) target(%dma_start3A_60 : memref<128x16xf32, #tpu.memory_space<vmem>>) offsets(%dma_start3A_63 : memref<128xi32, #tpu.memory_space<vmem>>) semaphore(%arg18 : memref<!tpu.dma_semaphore, #tpu.memory_space<semaphore_mem>>)
        %dma_start3A_67 = arith.constant 5 : i32
        %dma_start3A_68 = arith.constant 640 : i32
        %dma_start3A_69 = arith.constant 0 : i32
        %dma_start3A_70 = tpu.memref_slice %arg15[%dma_start3A_68, %dma_start3A_69] : memref<1024x16xf32, #tpu.memory_space<vmem>> -> memref<128x16xf32, #tpu.memory_space<vmem>>
        %dma_start3A_71 = arith.constant 0 : i32
        %dma_start3A_72 = tpu.memref_slice %arg12[%dma_start3A_67, %dma_start3A_71] : memref<8x128xi32, #tpu.memory_space<vmem>> -> memref<1x128xi32, #tpu.memory_space<vmem>>
        %dma_start3A_73 = tpu.memref_squeeze %dma_start3A_72 : memref<1x128xi32, #tpu.memory_space<vmem>> -> memref<128xi32, #tpu.memory_space<vmem>>
        %dma_start3A_74 = arith.constant 0 : i32
        %dma_start3A_75 = arith.constant 0 : i32
        %dma_start3A_76 = tpu.memref_slice %arg3[%dma_start3A_74, %dma_start3A_75] : memref<26000x16xf32, #tpu.memory_space<hbm>> -> memref<26000x16xf32, #tpu.memory_space<hbm>>
        tpu.enqueue_indirect_dma source(%dma_start3A_76 : memref<26000x16xf32, #tpu.memory_space<hbm>>) target(%dma_start3A_70 : memref<128x16xf32, #tpu.memory_space<vmem>>) offsets(%dma_start3A_73 : memref<128xi32, #tpu.memory_space<vmem>>) semaphore(%arg18 : memref<!tpu.dma_semaphore, #tpu.memory_space<semaphore_mem>>)
        %dma_start3A_77 = arith.constant 6 : i32
        %dma_start3A_78 = arith.constant 768 : i32
        %dma_start3A_79 = arith.constant 0 : i32
        %dma_start3A_80 = tpu.memref_slice %arg15[%dma_start3A_78, %dma_start3A_79] : memref<1024x16xf32, #tpu.memory_space<vmem>> -> memref<128x16xf32, #tpu.memory_space<vmem>>
        %dma_start3A_81 = arith.constant 0 : i32
        %dma_start3A_82 = tpu.memref_slice %arg12[%dma_start3A_77, %dma_start3A_81] : memref<8x128xi32, #tpu.memory_space<vmem>> -> memref<1x128xi32, #tpu.memory_space<vmem>>
        %dma_start3A_83 = tpu.memref_squeeze %dma_start3A_82 : memref<1x128xi32, #tpu.memory_space<vmem>> -> memref<128xi32, #tpu.memory_space<vmem>>
        %dma_start3A_84 = arith.constant 0 : i32
        %dma_start3A_85 = arith.constant 0 : i32
        %dma_start3A_86 = tpu.memref_slice %arg3[%dma_start3A_84, %dma_start3A_85] : memref<26000x16xf32, #tpu.memory_space<hbm>> -> memref<26000x16xf32, #tpu.memory_space<hbm>>
        tpu.enqueue_indirect_dma source(%dma_start3A_86 : memref<26000x16xf32, #tpu.memory_space<hbm>>) target(%dma_start3A_80 : memref<128x16xf32, #tpu.memory_space<vmem>>) offsets(%dma_start3A_83 : memref<128xi32, #tpu.memory_space<vmem>>) semaphore(%arg18 : memref<!tpu.dma_semaphore, #tpu.memory_space<semaphore_mem>>)
        %dma_start3A_87 = arith.constant 7 : i32
        %dma_start3A_88 = arith.constant 896 : i32
        %dma_start3A_89 = arith.constant 0 : i32
        %dma_start3A_90 = tpu.memref_slice %arg15[%dma_start3A_88, %dma_start3A_89] : memref<1024x16xf32, #tpu.memory_space<vmem>> -> memref<128x16xf32, #tpu.memory_space<vmem>>
        %dma_start3A_91 = arith.constant 0 : i32
        %dma_start3A_92 = tpu.memref_slice %arg12[%dma_start3A_87, %dma_start3A_91] : memref<8x128xi32, #tpu.memory_space<vmem>> -> memref<1x128xi32, #tpu.memory_space<vmem>>
        %dma_start3A_93 = tpu.memref_squeeze %dma_start3A_92 : memref<1x128xi32, #tpu.memory_space<vmem>> -> memref<128xi32, #tpu.memory_space<vmem>>
        %dma_start3A_94 = arith.constant 0 : i32
        %dma_start3A_95 = arith.constant 0 : i32
        %dma_start3A_96 = tpu.memref_slice %arg3[%dma_start3A_94, %dma_start3A_95] : memref<26000x16xf32, #tpu.memory_space<hbm>> -> memref<26000x16xf32, #tpu.memory_space<hbm>>
        tpu.enqueue_indirect_dma source(%dma_start3A_96 : memref<26000x16xf32, #tpu.memory_space<hbm>>) target(%dma_start3A_90 : memref<128x16xf32, #tpu.memory_space<vmem>>) offsets(%dma_start3A_93 : memref<128xi32, #tpu.memory_space<vmem>>) semaphore(%arg18 : memref<!tpu.dma_semaphore, #tpu.memory_space<semaphore_mem>>)
        %dma_wait3A = arith.constant 0 : i32
        %dma_wait3A_97 = arith.constant 0 : i32
        %dma_wait3A_98 = arith.constant 0 : i32
        %dma_wait3A_99 = tpu.memref_slice %arg15[%dma_wait3A_97, %dma_wait3A_98] : memref<1024x16xf32, #tpu.memory_space<vmem>> -> memref<128x16xf32, #tpu.memory_space<vmem>>
        %dma_wait3A_100 = arith.constant 0 : i32
        %dma_wait3A_101 = tpu.memref_slice %arg12[%dma_wait3A, %dma_wait3A_100] : memref<8x128xi32, #tpu.memory_space<vmem>> -> memref<1x128xi32, #tpu.memory_space<vmem>>
        %dma_wait3A_102 = tpu.memref_squeeze %dma_wait3A_101 : memref<1x128xi32, #tpu.memory_space<vmem>> -> memref<128xi32, #tpu.memory_space<vmem>>
        %dma_wait3A_103 = arith.constant 0 : i32
        %dma_wait3A_104 = arith.constant 0 : i32
        %dma_wait3A_105 = tpu.memref_slice %arg3[%dma_wait3A_103, %dma_wait3A_104] : memref<26000x16xf32, #tpu.memory_space<hbm>> -> memref<26000x16xf32, #tpu.memory_space<hbm>>
        tpu.wait_indirect_dma semaphore(%arg18 : memref<!tpu.dma_semaphore, #tpu.memory_space<semaphore_mem>>) src(%dma_wait3A_105 : memref<26000x16xf32, #tpu.memory_space<hbm>>) dst(%dma_wait3A_99 : memref<128x16xf32, #tpu.memory_space<vmem>>)
        %dma_wait3A_106 = arith.constant 1 : i32
        %dma_wait3A_107 = arith.constant 128 : i32
        %dma_wait3A_108 = arith.constant 0 : i32
        %dma_wait3A_109 = tpu.memref_slice %arg15[%dma_wait3A_107, %dma_wait3A_108] : memref<1024x16xf32, #tpu.memory_space<vmem>> -> memref<128x16xf32, #tpu.memory_space<vmem>>
        %dma_wait3A_110 = arith.constant 0 : i32
        %dma_wait3A_111 = tpu.memref_slice %arg12[%dma_wait3A_106, %dma_wait3A_110] : memref<8x128xi32, #tpu.memory_space<vmem>> -> memref<1x128xi32, #tpu.memory_space<vmem>>
        %dma_wait3A_112 = tpu.memref_squeeze %dma_wait3A_111 : memref<1x128xi32, #tpu.memory_space<vmem>> -> memref<128xi32, #tpu.memory_space<vmem>>
        %dma_wait3A_113 = arith.constant 0 : i32
        %dma_wait3A_114 = arith.constant 0 : i32
        %dma_wait3A_115 = tpu.memref_slice %arg3[%dma_wait3A_113, %dma_wait3A_114] : memref<26000x16xf32, #tpu.memory_space<hbm>> -> memref<26000x16xf32, #tpu.memory_space<hbm>>
        tpu.wait_indirect_dma semaphore(%arg18 : memref<!tpu.dma_semaphore, #tpu.memory_space<semaphore_mem>>) src(%dma_wait3A_115 : memref<26000x16xf32, #tpu.memory_space<hbm>>) dst(%dma_wait3A_109 : memref<128x16xf32, #tpu.memory_space<vmem>>)
        %dma_wait3A_116 = arith.constant 2 : i32
        %dma_wait3A_117 = arith.constant 256 : i32
        %dma_wait3A_118 = arith.constant 0 : i32
        %dma_wait3A_119 = tpu.memref_slice %arg15[%dma_wait3A_117, %dma_wait3A_118] : memref<1024x16xf32, #tpu.memory_space<vmem>> -> memref<128x16xf32, #tpu.memory_space<vmem>>
        %dma_wait3A_120 = arith.constant 0 : i32
        %dma_wait3A_121 = tpu.memref_slice %arg12[%dma_wait3A_116, %dma_wait3A_120] : memref<8x128xi32, #tpu.memory_space<vmem>> -> memref<1x128xi32, #tpu.memory_space<vmem>>
        %dma_wait3A_122 = tpu.memref_squeeze %dma_wait3A_121 : memref<1x128xi32, #tpu.memory_space<vmem>> -> memref<128xi32, #tpu.memory_space<vmem>>
        %dma_wait3A_123 = arith.constant 0 : i32
        %dma_wait3A_124 = arith.constant 0 : i32
        %dma_wait3A_125 = tpu.memref_slice %arg3[%dma_wait3A_123, %dma_wait3A_124] : memref<26000x16xf32, #tpu.memory_space<hbm>> -> memref<26000x16xf32, #tpu.memory_space<hbm>>
        tpu.wait_indirect_dma semaphore(%arg18 : memref<!tpu.dma_semaphore, #tpu.memory_space<semaphore_mem>>) src(%dma_wait3A_125 : memref<26000x16xf32, #tpu.memory_space<hbm>>) dst(%dma_wait3A_119 : memref<128x16xf32, #tpu.memory_space<vmem>>)
        %dma_wait3A_126 = arith.constant 3 : i32
        %dma_wait3A_127 = arith.constant 384 : i32
        %dma_wait3A_128 = arith.constant 0 : i32
        %dma_wait3A_129 = tpu.memref_slice %arg15[%dma_wait3A_127, %dma_wait3A_128] : memref<1024x16xf32, #tpu.memory_space<vmem>> -> memref<128x16xf32, #tpu.memory_space<vmem>>
        %dma_wait3A_130 = arith.constant 0 : i32
        %dma_wait3A_131 = tpu.memref_slice %arg12[%dma_wait3A_126, %dma_wait3A_130] : memref<8x128xi32, #tpu.memory_space<vmem>> -> memref<1x128xi32, #tpu.memory_space<vmem>>
        %dma_wait3A_132 = tpu.memref_squeeze %dma_wait3A_131 : memref<1x128xi32, #tpu.memory_space<vmem>> -> memref<128xi32, #tpu.memory_space<vmem>>
        %dma_wait3A_133 = arith.constant 0 : i32
        %dma_wait3A_134 = arith.constant 0 : i32
        %dma_wait3A_135 = tpu.memref_slice %arg3[%dma_wait3A_133, %dma_wait3A_134] : memref<26000x16xf32, #tpu.memory_space<hbm>> -> memref<26000x16xf32, #tpu.memory_space<hbm>>
        tpu.wait_indirect_dma semaphore(%arg18 : memref<!tpu.dma_semaphore, #tpu.memory_space<semaphore_mem>>) src(%dma_wait3A_135 : memref<26000x16xf32, #tpu.memory_space<hbm>>) dst(%dma_wait3A_129 : memref<128x16xf32, #tpu.memory_space<vmem>>)
        %dma_wait3A_136 = arith.constant 4 : i32
        %dma_wait3A_137 = arith.constant 512 : i32
        %dma_wait3A_138 = arith.constant 0 : i32
        %dma_wait3A_139 = tpu.memref_slice %arg15[%dma_wait3A_137, %dma_wait3A_138] : memref<1024x16xf32, #tpu.memory_space<vmem>> -> memref<128x16xf32, #tpu.memory_space<vmem>>
        %dma_wait3A_140 = arith.constant 0 : i32
        %dma_wait3A_141 = tpu.memref_slice %arg12[%dma_wait3A_136, %dma_wait3A_140] : memref<8x128xi32, #tpu.memory_space<vmem>> -> memref<1x128xi32, #tpu.memory_space<vmem>>
        %dma_wait3A_142 = tpu.memref_squeeze %dma_wait3A_141 : memref<1x128xi32, #tpu.memory_space<vmem>> -> memref<128xi32, #tpu.memory_space<vmem>>
        %dma_wait3A_143 = arith.constant 0 : i32
        %dma_wait3A_144 = arith.constant 0 : i32
        %dma_wait3A_145 = tpu.memref_slice %arg3[%dma_wait3A_143, %dma_wait3A_144] : memref<26000x16xf32, #tpu.memory_space<hbm>> -> memref<26000x16xf32, #tpu.memory_space<hbm>>
        tpu.wait_indirect_dma semaphore(%arg18 : memref<!tpu.dma_semaphore, #tpu.memory_space<semaphore_mem>>) src(%dma_wait3A_145 : memref<26000x16xf32, #tpu.memory_space<hbm>>) dst(%dma_wait3A_139 : memref<128x16xf32, #tpu.memory_space<vmem>>)
        %dma_wait3A_146 = arith.constant 5 : i32
        %dma_wait3A_147 = arith.constant 640 : i32
        %dma_wait3A_148 = arith.constant 0 : i32
        %dma_wait3A_149 = tpu.memref_slice %arg15[%dma_wait3A_147, %dma_wait3A_148] : memref<1024x16xf32, #tpu.memory_space<vmem>> -> memref<128x16xf32, #tpu.memory_space<vmem>>
        %dma_wait3A_150 = arith.constant 0 : i32
        %dma_wait3A_151 = tpu.memref_slice %arg12[%dma_wait3A_146, %dma_wait3A_150] : memref<8x128xi32, #tpu.memory_space<vmem>> -> memref<1x128xi32, #tpu.memory_space<vmem>>
        %dma_wait3A_152 = tpu.memref_squeeze %dma_wait3A_151 : memref<1x128xi32, #tpu.memory_space<vmem>> -> memref<128xi32, #tpu.memory_space<vmem>>
        %dma_wait3A_153 = arith.constant 0 : i32
        %dma_wait3A_154 = arith.constant 0 : i32
        %dma_wait3A_155 = tpu.memref_slice %arg3[%dma_wait3A_153, %dma_wait3A_154] : memref<26000x16xf32, #tpu.memory_space<hbm>> -> memref<26000x16xf32, #tpu.memory_space<hbm>>
        tpu.wait_indirect_dma semaphore(%arg18 : memref<!tpu.dma_semaphore, #tpu.memory_space<semaphore_mem>>) src(%dma_wait3A_155 : memref<26000x16xf32, #tpu.memory_space<hbm>>) dst(%dma_wait3A_149 : memref<128x16xf32, #tpu.memory_space<vmem>>)
        %dma_wait3A_156 = arith.constant 6 : i32
        %dma_wait3A_157 = arith.constant 768 : i32
        %dma_wait3A_158 = arith.constant 0 : i32
        %dma_wait3A_159 = tpu.memref_slice %arg15[%dma_wait3A_157, %dma_wait3A_158] : memref<1024x16xf32, #tpu.memory_space<vmem>> -> memref<128x16xf32, #tpu.memory_space<vmem>>
        %dma_wait3A_160 = arith.constant 0 : i32
        %dma_wait3A_161 = tpu.memref_slice %arg12[%dma_wait3A_156, %dma_wait3A_160] : memref<8x128xi32, #tpu.memory_space<vmem>> -> memref<1x128xi32, #tpu.memory_space<vmem>>
        %dma_wait3A_162 = tpu.memref_squeeze %dma_wait3A_161 : memref<1x128xi32, #tpu.memory_space<vmem>> -> memref<128xi32, #tpu.memory_space<vmem>>
        %dma_wait3A_163 = arith.constant 0 : i32
        %dma_wait3A_164 = arith.constant 0 : i32
        %dma_wait3A_165 = tpu.memref_slice %arg3[%dma_wait3A_163, %dma_wait3A_164] : memref<26000x16xf32, #tpu.memory_space<hbm>> -> memref<26000x16xf32, #tpu.memory_space<hbm>>
        tpu.wait_indirect_dma semaphore(%arg18 : memref<!tpu.dma_semaphore, #tpu.memory_space<semaphore_mem>>) src(%dma_wait3A_165 : memref<26000x16xf32, #tpu.memory_space<hbm>>) dst(%dma_wait3A_159 : memref<128x16xf32, #tpu.memory_space<vmem>>)
        %dma_wait3A_166 = arith.constant 7 : i32
        %dma_wait3A_167 = arith.constant 896 : i32
        %dma_wait3A_168 = arith.constant 0 : i32
        %dma_wait3A_169 = tpu.memref_slice %arg15[%dma_wait3A_167, %dma_wait3A_168] : memref<1024x16xf32, #tpu.memory_space<vmem>> -> memref<128x16xf32, #tpu.memory_space<vmem>>
        %dma_wait3A_170 = arith.constant 0 : i32
        %dma_wait3A_171 = tpu.memref_slice %arg12[%dma_wait3A_166, %dma_wait3A_170] : memref<8x128xi32, #tpu.memory_space<vmem>> -> memref<1x128xi32, #tpu.memory_space<vmem>>
        %dma_wait3A_172 = tpu.memref_squeeze %dma_wait3A_171 : memref<1x128xi32, #tpu.memory_space<vmem>> -> memref<128xi32, #tpu.memory_space<vmem>>
        %dma_wait3A_173 = arith.constant 0 : i32
        %dma_wait3A_174 = arith.constant 0 : i32
        %dma_wait3A_175 = tpu.memref_slice %arg3[%dma_wait3A_173, %dma_wait3A_174] : memref<26000x16xf32, #tpu.memory_space<hbm>> -> memref<26000x16xf32, #tpu.memory_space<hbm>>
        tpu.wait_indirect_dma semaphore(%arg18 : memref<!tpu.dma_semaphore, #tpu.memory_space<semaphore_mem>>) src(%dma_wait3A_175 : memref<26000x16xf32, #tpu.memory_space<hbm>>) dst(%dma_wait3A_169 : memref<128x16xf32, #tpu.memory_space<vmem>>)
        %mul3A_176 = arith.constant 1024 : i32
        %mul3A_177 = arith.muli %add3A_15, %mul3A_176 : i32
        "tpu.region"() ({
          %run_scoped3A = tpu.sem_alloc : memref<!tpu.dma_semaphore, #tpu.memory_space<semaphore_mem>>
          %dma_start3A_178 = arith.constant 0 : i32
          %dma_start3A_179 = tpu.memref_slice %arg9[%mul3A_177, %dma_start3A_178] : memref<106496x16xf32, #tpu.memory_space<hbm>> -> memref<1024x16xf32, #tpu.memory_space<hbm>>
          %dma_start3A_180 = arith.constant 0 : i32
          %dma_start3A_181 = tpu.memref_slice %arg9[%mul3A_177, %dma_start3A_180] : memref<106496x16xf32, #tpu.memory_space<hbm>> -> memref<1024x16xf32, #tpu.memory_space<hbm>>
          tpu.enqueue_dma source(%arg15 : memref<1024x16xf32, #tpu.memory_space<vmem>>) target(%dma_start3A_181 : memref<1024x16xf32, #tpu.memory_space<hbm>>) target_semaphore(%run_scoped3A : memref<!tpu.dma_semaphore, #tpu.memory_space<semaphore_mem>>)
          %dma_wait3A_182 = arith.constant 0 : i32
          %dma_wait3A_183 = tpu.memref_slice %arg9[%mul3A_177, %dma_wait3A_182] : memref<106496x16xf32, #tpu.memory_space<hbm>> -> memref<1024x16xf32, #tpu.memory_space<hbm>>
          %dma_wait3A_184 = arith.constant 0 : i32
          %dma_wait3A_185 = tpu.memref_slice %arg9[%mul3A_177, %dma_wait3A_184] : memref<106496x16xf32, #tpu.memory_space<hbm>> -> memref<1024x16xf32, #tpu.memory_space<hbm>>
          tpu.wait_dma2 semaphore(%run_scoped3A : memref<!tpu.dma_semaphore, #tpu.memory_space<semaphore_mem>>) src(%arg15 : memref<1024x16xf32, #tpu.memory_space<vmem>>) dst(%dma_wait3A_185 : memref<1024x16xf32, #tpu.memory_space<hbm>>)
          tpu.yield
        }) : () -> ()
      } else {
      }
    }
    %scan3A_11 = arith.constant 4 : i32
    return
  }
}

module attributes {stable_mosaic.version = 14 : i64} {
  func.func @_tc_body(%arg0: i32, %arg1: memref<5248x128xf32, #tpu.memory_space<vmem>>, %arg2: memref<5248x128xf32, #tpu.memory_space<vmem>>, %arg3: memref<128x416xf32, #tpu.memory_space<vmem>>, %arg4: memref<1x5248xf32, #tpu.memory_space<vmem>>, %arg5: memref<1x328xf32, #tpu.memory_space<vmem>>, %arg6: memref<5248x328xbf16, #tpu.memory_space<vmem>>, %arg7: memref<328x5248xbf16, #tpu.memory_space<vmem>>, %arg8: memref<328x162xf32, #tpu.memory_space<vmem>>, %arg9: memref<1x162xf32, #tpu.memory_space<vmem>>, %arg10: memref<162x328xf32, #tpu.memory_space<vmem>>, %arg11: memref<1x328xf32, #tpu.memory_space<vmem>>, %arg12: memref<5248x1024xbf16, #tpu.memory_space<vmem>>, %arg13: memref<1x1024xf32, #tpu.memory_space<vmem>>, %arg14: memref<1024x512xbf16, #tpu.memory_space<vmem>>, %arg15: memref<1x512xf32, #tpu.memory_space<vmem>>, %arg16: memref<1x512xf32, #tpu.memory_space<vmem>>, %arg17: memref<1x1xf32, #tpu.memory_space<vmem>>, %arg18: memref<128x1xf32, #tpu.memory_space<vmem>>, %arg19: memref<128x5248xf32, #tpu.memory_space<vmem>>) attributes {dimension_semantics = [#tpu.dimension_semantics<arbitrary>], iteration_bounds = array<i64: 32>, scalar_prefetch = 0 : i64, scratch_operands = 1 : i64, tpu.core_type = #tpu.core_type<tc>, window_params = [{transform_indices = @transform_0, window_bounds = array<i64: 5248, 128>}, {transform_indices = @transform_1, window_bounds = array<i64: 5248, 128>}, {transform_indices = @transform_2, window_bounds = array<i64: 128, 416>}, {pipeline_mode = #tpu.pipeline_mode<synchronous>, transform_indices = @transform_3, window_bounds = array<i64: 1, 5248>}, {pipeline_mode = #tpu.pipeline_mode<synchronous>, transform_indices = @transform_4, window_bounds = array<i64: 1, 328>}, {pipeline_mode = #tpu.pipeline_mode<synchronous>, transform_indices = @transform_5, window_bounds = array<i64: 5248, 328>}, {pipeline_mode = #tpu.pipeline_mode<synchronous>, transform_indices = @transform_6, window_bounds = array<i64: 328, 5248>}, {pipeline_mode = #tpu.pipeline_mode<synchronous>, transform_indices = @transform_7, window_bounds = array<i64: 328, 162>}, {pipeline_mode = #tpu.pipeline_mode<synchronous>, transform_indices = @transform_8, window_bounds = array<i64: 1, 162>}, {pipeline_mode = #tpu.pipeline_mode<synchronous>, transform_indices = @transform_9, window_bounds = array<i64: 162, 328>}, {pipeline_mode = #tpu.pipeline_mode<synchronous>, transform_indices = @transform_10, window_bounds = array<i64: 1, 328>}, {pipeline_mode = #tpu.pipeline_mode<synchronous>, transform_indices = @transform_11, window_bounds = array<i64: 5248, 1024>}, {pipeline_mode = #tpu.pipeline_mode<synchronous>, transform_indices = @transform_12, window_bounds = array<i64: 1, 1024>}, {pipeline_mode = #tpu.pipeline_mode<synchronous>, transform_indices = @transform_13, window_bounds = array<i64: 1024, 512>}, {pipeline_mode = #tpu.pipeline_mode<synchronous>, transform_indices = @transform_14, window_bounds = array<i64: 1, 512>}, {pipeline_mode = #tpu.pipeline_mode<synchronous>, transform_indices = @transform_15, window_bounds = array<i64: 1, 512>}, {pipeline_mode = #tpu.pipeline_mode<synchronous>, transform_indices = @transform_16, window_bounds = array<i64: 1, 1>}, {transform_indices = @transform_17, window_bounds = array<i64: 128, 1>}]} {
    %get3A = arith.constant 0 : index
    %get3A_0 = arith.constant 0 : index
    %get3A_1 = vector.load %arg1[%get3A, %get3A_0] : memref<5248x128xf32, #tpu.memory_space<vmem>>, vector<128x128xf32>
    %get3A_2 = arith.constant 0 : index
    %get3A_3 = arith.constant 0 : index
    %get3A_4 = vector.load %arg2[%get3A_2, %get3A_3] : memref<5248x128xf32, #tpu.memory_space<vmem>>, vector<128x128xf32>
    %mul3A = arith.mulf %get3A_1, %get3A_4 : vector<128x128xf32>
    %swap3A = arith.constant 0 : index
    %swap3A_5 = arith.constant 0 : index
    %swap3A_6 = vector.load %arg19[%swap3A, %swap3A_5] : memref<128x5248xf32, #tpu.memory_space<vmem>>, vector<128x128xf32>
    tpu.vector_store %arg19[%swap3A, %swap3A_5], %mul3A {strides = array<i32>} : memref<128x5248xf32, #tpu.memory_space<vmem>>, vector<128x128xf32>,
    %get3A_7 = arith.constant 128 : index
    %get3A_8 = arith.constant 0 : index
    %get3A_9 = vector.load %arg1[%get3A_7, %get3A_8] : memref<5248x128xf32, #tpu.memory_space<vmem>>, vector<128x128xf32>
    %get3A_10 = arith.constant 128 : index
    %get3A_11 = arith.constant 0 : index
    %get3A_12 = vector.load %arg2[%get3A_10, %get3A_11] : memref<5248x128xf32, #tpu.memory_space<vmem>>, vector<128x128xf32>
    %mul3A_13 = arith.mulf %get3A_9, %get3A_12 : vector<128x128xf32>
    %swap3A_14 = arith.constant 0 : index
    %swap3A_15 = arith.constant 128 : index
    %swap3A_16 = vector.load %arg19[%swap3A_14, %swap3A_15] : memref<128x5248xf32, #tpu.memory_space<vmem>>, vector<128x128xf32>
    tpu.vector_store %arg19[%swap3A_14, %swap3A_15], %mul3A_13 {strides = array<i32>} : memref<128x5248xf32, #tpu.memory_space<vmem>>, vector<128x128xf32>,
    %get3A_17 = arith.constant 256 : index
    %get3A_18 = arith.constant 0 : index
    %get3A_19 = vector.load %arg1[%get3A_17, %get3A_18] : memref<5248x128xf32, #tpu.memory_space<vmem>>, vector<128x128xf32>
    %get3A_20 = arith.constant 256 : index
    %get3A_21 = arith.constant 0 : index
    %get3A_22 = vector.load %arg2[%get3A_20, %get3A_21] : memref<5248x128xf32, #tpu.memory_space<vmem>>, vector<128x128xf32>
    %mul3A_23 = arith.mulf %get3A_19, %get3A_22 : vector<128x128xf32>
    %swap3A_24 = arith.constant 0 : index
    %swap3A_25 = arith.constant 256 : index
    %swap3A_26 = vector.load %arg19[%swap3A_24, %swap3A_25] : memref<128x5248xf32, #tpu.memory_space<vmem>>, vector<128x128xf32>
    tpu.vector_store %arg19[%swap3A_24, %swap3A_25], %mul3A_23 {strides = array<i32>} : memref<128x5248xf32, #tpu.memory_space<vmem>>, vector<128x128xf32>,
    %get3A_27 = arith.constant 384 : index
    %get3A_28 = arith.constant 0 : index
    %get3A_29 = vector.load %arg1[%get3A_27, %get3A_28] : memref<5248x128xf32, #tpu.memory_space<vmem>>, vector<128x128xf32>
    %get3A_30 = arith.constant 384 : index
    %get3A_31 = arith.constant 0 : index
    %get3A_32 = vector.load %arg2[%get3A_30, %get3A_31] : memref<5248x128xf32, #tpu.memory_space<vmem>>, vector<128x128xf32>
    %mul3A_33 = arith.mulf %get3A_29, %get3A_32 : vector<128x128xf32>
    %swap3A_34 = arith.constant 0 : index
    %swap3A_35 = arith.constant 384 : index
    %swap3A_36 = vector.load %arg19[%swap3A_34, %swap3A_35] : memref<128x5248xf32, #tpu.memory_space<vmem>>, vector<128x128xf32>
    tpu.vector_store %arg19[%swap3A_34, %swap3A_35], %mul3A_33 {strides = array<i32>} : memref<128x5248xf32, #tpu.memory_space<vmem>>, vector<128x128xf32>,
    %get3A_37 = arith.constant 512 : index
    %get3A_38 = arith.constant 0 : index
    %get3A_39 = vector.load %arg1[%get3A_37, %get3A_38] : memref<5248x128xf32, #tpu.memory_space<vmem>>, vector<128x128xf32>
    %get3A_40 = arith.constant 512 : index
    %get3A_41 = arith.constant 0 : index
    %get3A_42 = vector.load %arg2[%get3A_40, %get3A_41] : memref<5248x128xf32, #tpu.memory_space<vmem>>, vector<128x128xf32>
    %mul3A_43 = arith.mulf %get3A_39, %get3A_42 : vector<128x128xf32>
    %swap3A_44 = arith.constant 0 : index
    %swap3A_45 = arith.constant 512 : index
    %swap3A_46 = vector.load %arg19[%swap3A_44, %swap3A_45] : memref<128x5248xf32, #tpu.memory_space<vmem>>, vector<128x128xf32>
    tpu.vector_store %arg19[%swap3A_44, %swap3A_45], %mul3A_43 {strides = array<i32>} : memref<128x5248xf32, #tpu.memory_space<vmem>>, vector<128x128xf32>,
    %get3A_47 = arith.constant 640 : index
    %get3A_48 = arith.constant 0 : index
    %get3A_49 = vector.load %arg1[%get3A_47, %get3A_48] : memref<5248x128xf32, #tpu.memory_space<vmem>>, vector<128x128xf32>
    %get3A_50 = arith.constant 640 : index
    %get3A_51 = arith.constant 0 : index
    %get3A_52 = vector.load %arg2[%get3A_50, %get3A_51] : memref<5248x128xf32, #tpu.memory_space<vmem>>, vector<128x128xf32>
    %mul3A_53 = arith.mulf %get3A_49, %get3A_52 : vector<128x128xf32>
    %swap3A_54 = arith.constant 0 : index
    %swap3A_55 = arith.constant 640 : index
    %swap3A_56 = vector.load %arg19[%swap3A_54, %swap3A_55] : memref<128x5248xf32, #tpu.memory_space<vmem>>, vector<128x128xf32>
    tpu.vector_store %arg19[%swap3A_54, %swap3A_55], %mul3A_53 {strides = array<i32>} : memref<128x5248xf32, #tpu.memory_space<vmem>>, vector<128x128xf32>,
    %get3A_57 = arith.constant 768 : index
    %get3A_58 = arith.constant 0 : index
    %get3A_59 = vector.load %arg1[%get3A_57, %get3A_58] : memref<5248x128xf32, #tpu.memory_space<vmem>>, vector<128x128xf32>
    %get3A_60 = arith.constant 768 : index
    %get3A_61 = arith.constant 0 : index
    %get3A_62 = vector.load %arg2[%get3A_60, %get3A_61] : memref<5248x128xf32, #tpu.memory_space<vmem>>, vector<128x128xf32>
    %mul3A_63 = arith.mulf %get3A_59, %get3A_62 : vector<128x128xf32>
    %swap3A_64 = arith.constant 0 : index
    %swap3A_65 = arith.constant 768 : index
    %swap3A_66 = vector.load %arg19[%swap3A_64, %swap3A_65] : memref<128x5248xf32, #tpu.memory_space<vmem>>, vector<128x128xf32>
    tpu.vector_store %arg19[%swap3A_64, %swap3A_65], %mul3A_63 {strides = array<i32>} : memref<128x5248xf32, #tpu.memory_space<vmem>>, vector<128x128xf32>,
    %get3A_67 = arith.constant 896 : index
    %get3A_68 = arith.constant 0 : index
    %get3A_69 = vector.load %arg1[%get3A_67, %get3A_68] : memref<5248x128xf32, #tpu.memory_space<vmem>>, vector<128x128xf32>
    %get3A_70 = arith.constant 896 : index
    %get3A_71 = arith.constant 0 : index
    %get3A_72 = vector.load %arg2[%get3A_70, %get3A_71] : memref<5248x128xf32, #tpu.memory_space<vmem>>, vector<128x128xf32>
    %mul3A_73 = arith.mulf %get3A_69, %get3A_72 : vector<128x128xf32>
    %swap3A_74 = arith.constant 0 : index
    %swap3A_75 = arith.constant 896 : index
    %swap3A_76 = vector.load %arg19[%swap3A_74, %swap3A_75] : memref<128x5248xf32, #tpu.memory_space<vmem>>, vector<128x128xf32>
    tpu.vector_store %arg19[%swap3A_74, %swap3A_75], %mul3A_73 {strides = array<i32>} : memref<128x5248xf32, #tpu.memory_space<vmem>>, vector<128x128xf32>,
    %get3A_77 = arith.constant 1024 : index
    %get3A_78 = arith.constant 0 : index
    %get3A_79 = vector.load %arg1[%get3A_77, %get3A_78] : memref<5248x128xf32, #tpu.memory_space<vmem>>, vector<128x128xf32>
    %get3A_80 = arith.constant 1024 : index
    %get3A_81 = arith.constant 0 : index
    %get3A_82 = vector.load %arg2[%get3A_80, %get3A_81] : memref<5248x128xf32, #tpu.memory_space<vmem>>, vector<128x128xf32>
    %mul3A_83 = arith.mulf %get3A_79, %get3A_82 : vector<128x128xf32>
    %swap3A_84 = arith.constant 0 : index
    %swap3A_85 = arith.constant 1024 : index
    %swap3A_86 = vector.load %arg19[%swap3A_84, %swap3A_85] : memref<128x5248xf32, #tpu.memory_space<vmem>>, vector<128x128xf32>
    tpu.vector_store %arg19[%swap3A_84, %swap3A_85], %mul3A_83 {strides = array<i32>} : memref<128x5248xf32, #tpu.memory_space<vmem>>, vector<128x128xf32>,
    %get3A_87 = arith.constant 1152 : index
    %get3A_88 = arith.constant 0 : index
    %get3A_89 = vector.load %arg1[%get3A_87, %get3A_88] : memref<5248x128xf32, #tpu.memory_space<vmem>>, vector<128x128xf32>
    %get3A_90 = arith.constant 1152 : index
    %get3A_91 = arith.constant 0 : index
    %get3A_92 = vector.load %arg2[%get3A_90, %get3A_91] : memref<5248x128xf32, #tpu.memory_space<vmem>>, vector<128x128xf32>
    %mul3A_93 = arith.mulf %get3A_89, %get3A_92 : vector<128x128xf32>
    %swap3A_94 = arith.constant 0 : index
    %swap3A_95 = arith.constant 1152 : index
    %swap3A_96 = vector.load %arg19[%swap3A_94, %swap3A_95] : memref<128x5248xf32, #tpu.memory_space<vmem>>, vector<128x128xf32>
    tpu.vector_store %arg19[%swap3A_94, %swap3A_95], %mul3A_93 {strides = array<i32>} : memref<128x5248xf32, #tpu.memory_space<vmem>>, vector<128x128xf32>,
    %get3A_97 = arith.constant 1280 : index
    %get3A_98 = arith.constant 0 : index
    %get3A_99 = vector.load %arg1[%get3A_97, %get3A_98] : memref<5248x128xf32, #tpu.memory_space<vmem>>, vector<128x128xf32>
    %get3A_100 = arith.constant 1280 : index
    %get3A_101 = arith.constant 0 : index
    %get3A_102 = vector.load %arg2[%get3A_100, %get3A_101] : memref<5248x128xf32, #tpu.memory_space<vmem>>, vector<128x128xf32>
    %mul3A_103 = arith.mulf %get3A_99, %get3A_102 : vector<128x128xf32>
    %swap3A_104 = arith.constant 0 : index
    %swap3A_105 = arith.constant 1280 : index
    %swap3A_106 = vector.load %arg19[%swap3A_104, %swap3A_105] : memref<128x5248xf32, #tpu.memory_space<vmem>>, vector<128x128xf32>
    tpu.vector_store %arg19[%swap3A_104, %swap3A_105], %mul3A_103 {strides = array<i32>} : memref<128x5248xf32, #tpu.memory_space<vmem>>, vector<128x128xf32>,
    %get3A_107 = arith.constant 1408 : index
    %get3A_108 = arith.constant 0 : index
    %get3A_109 = vector.load %arg1[%get3A_107, %get3A_108] : memref<5248x128xf32, #tpu.memory_space<vmem>>, vector<128x128xf32>
    %get3A_110 = arith.constant 1408 : index
    %get3A_111 = arith.constant 0 : index
    %get3A_112 = vector.load %arg2[%get3A_110, %get3A_111] : memref<5248x128xf32, #tpu.memory_space<vmem>>, vector<128x128xf32>
    %mul3A_113 = arith.mulf %get3A_109, %get3A_112 : vector<128x128xf32>
    %swap3A_114 = arith.constant 0 : index
    %swap3A_115 = arith.constant 1408 : index
    %swap3A_116 = vector.load %arg19[%swap3A_114, %swap3A_115] : memref<128x5248xf32, #tpu.memory_space<vmem>>, vector<128x128xf32>
    tpu.vector_store %arg19[%swap3A_114, %swap3A_115], %mul3A_113 {strides = array<i32>} : memref<128x5248xf32, #tpu.memory_space<vmem>>, vector<128x128xf32>,
    %get3A_117 = arith.constant 1536 : index
    %get3A_118 = arith.constant 0 : index
    %get3A_119 = vector.load %arg1[%get3A_117, %get3A_118] : memref<5248x128xf32, #tpu.memory_space<vmem>>, vector<128x128xf32>
    %get3A_120 = arith.constant 1536 : index
    %get3A_121 = arith.constant 0 : index
    %get3A_122 = vector.load %arg2[%get3A_120, %get3A_121] : memref<5248x128xf32, #tpu.memory_space<vmem>>, vector<128x128xf32>
    %mul3A_123 = arith.mulf %get3A_119, %get3A_122 : vector<128x128xf32>
    %swap3A_124 = arith.constant 0 : index
    %swap3A_125 = arith.constant 1536 : index
    %swap3A_126 = vector.load %arg19[%swap3A_124, %swap3A_125] : memref<128x5248xf32, #tpu.memory_space<vmem>>, vector<128x128xf32>
    tpu.vector_store %arg19[%swap3A_124, %swap3A_125], %mul3A_123 {strides = array<i32>} : memref<128x5248xf32, #tpu.memory_space<vmem>>, vector<128x128xf32>,
    %get3A_127 = arith.constant 1664 : index
    %get3A_128 = arith.constant 0 : index
    %get3A_129 = vector.load %arg1[%get3A_127, %get3A_128] : memref<5248x128xf32, #tpu.memory_space<vmem>>, vector<128x128xf32>
    %get3A_130 = arith.constant 1664 : index
    %get3A_131 = arith.constant 0 : index
    %get3A_132 = vector.load %arg2[%get3A_130, %get3A_131] : memref<5248x128xf32, #tpu.memory_space<vmem>>, vector<128x128xf32>
    %mul3A_133 = arith.mulf %get3A_129, %get3A_132 : vector<128x128xf32>
    %swap3A_134 = arith.constant 0 : index
    %swap3A_135 = arith.constant 1664 : index
    %swap3A_136 = vector.load %arg19[%swap3A_134, %swap3A_135] : memref<128x5248xf32, #tpu.memory_space<vmem>>, vector<128x128xf32>
    tpu.vector_store %arg19[%swap3A_134, %swap3A_135], %mul3A_133 {strides = array<i32>} : memref<128x5248xf32, #tpu.memory_space<vmem>>, vector<128x128xf32>,
    %get3A_137 = arith.constant 1792 : index
    %get3A_138 = arith.constant 0 : index
    %get3A_139 = vector.load %arg1[%get3A_137, %get3A_138] : memref<5248x128xf32, #tpu.memory_space<vmem>>, vector<128x128xf32>
    %get3A_140 = arith.constant 1792 : index
    %get3A_141 = arith.constant 0 : index
    %get3A_142 = vector.load %arg2[%get3A_140, %get3A_141] : memref<5248x128xf32, #tpu.memory_space<vmem>>, vector<128x128xf32>
    %mul3A_143 = arith.mulf %get3A_139, %get3A_142 : vector<128x128xf32>
    %swap3A_144 = arith.constant 0 : index
    %swap3A_145 = arith.constant 1792 : index
    %swap3A_146 = vector.load %arg19[%swap3A_144, %swap3A_145] : memref<128x5248xf32, #tpu.memory_space<vmem>>, vector<128x128xf32>
    tpu.vector_store %arg19[%swap3A_144, %swap3A_145], %mul3A_143 {strides = array<i32>} : memref<128x5248xf32, #tpu.memory_space<vmem>>, vector<128x128xf32>,
    %get3A_147 = arith.constant 1920 : index
    %get3A_148 = arith.constant 0 : index
    %get3A_149 = vector.load %arg1[%get3A_147, %get3A_148] : memref<5248x128xf32, #tpu.memory_space<vmem>>, vector<128x128xf32>
    %get3A_150 = arith.constant 1920 : index
    %get3A_151 = arith.constant 0 : index
    %get3A_152 = vector.load %arg2[%get3A_150, %get3A_151] : memref<5248x128xf32, #tpu.memory_space<vmem>>, vector<128x128xf32>
    %mul3A_153 = arith.mulf %get3A_149, %get3A_152 : vector<128x128xf32>
    %swap3A_154 = arith.constant 0 : index
    %swap3A_155 = arith.constant 1920 : index
    %swap3A_156 = vector.load %arg19[%swap3A_154, %swap3A_155] : memref<128x5248xf32, #tpu.memory_space<vmem>>, vector<128x128xf32>
    tpu.vector_store %arg19[%swap3A_154, %swap3A_155], %mul3A_153 {strides = array<i32>} : memref<128x5248xf32, #tpu.memory_space<vmem>>, vector<128x128xf32>,
    %get3A_157 = arith.constant 2048 : index
    %get3A_158 = arith.constant 0 : index
    %get3A_159 = vector.load %arg1[%get3A_157, %get3A_158] : memref<5248x128xf32, #tpu.memory_space<vmem>>, vector<128x128xf32>
    %get3A_160 = arith.constant 2048 : index
    %get3A_161 = arith.constant 0 : index
    %get3A_162 = vector.load %arg2[%get3A_160, %get3A_161] : memref<5248x128xf32, #tpu.memory_space<vmem>>, vector<128x128xf32>
    %mul3A_163 = arith.mulf %get3A_159, %get3A_162 : vector<128x128xf32>
    %swap3A_164 = arith.constant 0 : index
    %swap3A_165 = arith.constant 2048 : index
    %swap3A_166 = vector.load %arg19[%swap3A_164, %swap3A_165] : memref<128x5248xf32, #tpu.memory_space<vmem>>, vector<128x128xf32>
    tpu.vector_store %arg19[%swap3A_164, %swap3A_165], %mul3A_163 {strides = array<i32>} : memref<128x5248xf32, #tpu.memory_space<vmem>>, vector<128x128xf32>,
    %get3A_167 = arith.constant 2176 : index
    %get3A_168 = arith.constant 0 : index
    %get3A_169 = vector.load %arg1[%get3A_167, %get3A_168] : memref<5248x128xf32, #tpu.memory_space<vmem>>, vector<128x128xf32>
    %get3A_170 = arith.constant 2176 : index
    %get3A_171 = arith.constant 0 : index
    %get3A_172 = vector.load %arg2[%get3A_170, %get3A_171] : memref<5248x128xf32, #tpu.memory_space<vmem>>, vector<128x128xf32>
    %mul3A_173 = arith.mulf %get3A_169, %get3A_172 : vector<128x128xf32>
    %swap3A_174 = arith.constant 0 : index
    %swap3A_175 = arith.constant 2176 : index
    %swap3A_176 = vector.load %arg19[%swap3A_174, %swap3A_175] : memref<128x5248xf32, #tpu.memory_space<vmem>>, vector<128x128xf32>
    tpu.vector_store %arg19[%swap3A_174, %swap3A_175], %mul3A_173 {strides = array<i32>} : memref<128x5248xf32, #tpu.memory_space<vmem>>, vector<128x128xf32>,
    %get3A_177 = arith.constant 2304 : index
    %get3A_178 = arith.constant 0 : index
    %get3A_179 = vector.load %arg1[%get3A_177, %get3A_178] : memref<5248x128xf32, #tpu.memory_space<vmem>>, vector<128x128xf32>
    %get3A_180 = arith.constant 2304 : index
    %get3A_181 = arith.constant 0 : index
    %get3A_182 = vector.load %arg2[%get3A_180, %get3A_181] : memref<5248x128xf32, #tpu.memory_space<vmem>>, vector<128x128xf32>
    %mul3A_183 = arith.mulf %get3A_179, %get3A_182 : vector<128x128xf32>
    %swap3A_184 = arith.constant 0 : index
    %swap3A_185 = arith.constant 2304 : index
    %swap3A_186 = vector.load %arg19[%swap3A_184, %swap3A_185] : memref<128x5248xf32, #tpu.memory_space<vmem>>, vector<128x128xf32>
    tpu.vector_store %arg19[%swap3A_184, %swap3A_185], %mul3A_183 {strides = array<i32>} : memref<128x5248xf32, #tpu.memory_space<vmem>>, vector<128x128xf32>,
    %get3A_187 = arith.constant 2432 : index
    %get3A_188 = arith.constant 0 : index
    %get3A_189 = vector.load %arg1[%get3A_187, %get3A_188] : memref<5248x128xf32, #tpu.memory_space<vmem>>, vector<128x128xf32>
    %get3A_190 = arith.constant 2432 : index
    %get3A_191 = arith.constant 0 : index
    %get3A_192 = vector.load %arg2[%get3A_190, %get3A_191] : memref<5248x128xf32, #tpu.memory_space<vmem>>, vector<128x128xf32>
    %mul3A_193 = arith.mulf %get3A_189, %get3A_192 : vector<128x128xf32>
    %swap3A_194 = arith.constant 0 : index
    %swap3A_195 = arith.constant 2432 : index
    %swap3A_196 = vector.load %arg19[%swap3A_194, %swap3A_195] : memref<128x5248xf32, #tpu.memory_space<vmem>>, vector<128x128xf32>
    tpu.vector_store %arg19[%swap3A_194, %swap3A_195], %mul3A_193 {strides = array<i32>} : memref<128x5248xf32, #tpu.memory_space<vmem>>, vector<128x128xf32>,
    %get3A_197 = arith.constant 2560 : index
    %get3A_198 = arith.constant 0 : index
    %get3A_199 = vector.load %arg1[%get3A_197, %get3A_198] : memref<5248x128xf32, #tpu.memory_space<vmem>>, vector<128x128xf32>
    %get3A_200 = arith.constant 2560 : index
    %get3A_201 = arith.constant 0 : index
    %get3A_202 = vector.load %arg2[%get3A_200, %get3A_201] : memref<5248x128xf32, #tpu.memory_space<vmem>>, vector<128x128xf32>
    %mul3A_203 = arith.mulf %get3A_199, %get3A_202 : vector<128x128xf32>
    %swap3A_204 = arith.constant 0 : index
    %swap3A_205 = arith.constant 2560 : index
    %swap3A_206 = vector.load %arg19[%swap3A_204, %swap3A_205] : memref<128x5248xf32, #tpu.memory_space<vmem>>, vector<128x128xf32>
    tpu.vector_store %arg19[%swap3A_204, %swap3A_205], %mul3A_203 {strides = array<i32>} : memref<128x5248xf32, #tpu.memory_space<vmem>>, vector<128x128xf32>,
    %get3A_207 = arith.constant 2688 : index
    %get3A_208 = arith.constant 0 : index
    %get3A_209 = vector.load %arg1[%get3A_207, %get3A_208] : memref<5248x128xf32, #tpu.memory_space<vmem>>, vector<128x128xf32>
    %get3A_210 = arith.constant 2688 : index
    %get3A_211 = arith.constant 0 : index
    %get3A_212 = vector.load %arg2[%get3A_210, %get3A_211] : memref<5248x128xf32, #tpu.memory_space<vmem>>, vector<128x128xf32>
    %mul3A_213 = arith.mulf %get3A_209, %get3A_212 : vector<128x128xf32>
    %swap3A_214 = arith.constant 0 : index
    %swap3A_215 = arith.constant 2688 : index
    %swap3A_216 = vector.load %arg19[%swap3A_214, %swap3A_215] : memref<128x5248xf32, #tpu.memory_space<vmem>>, vector<128x128xf32>
    tpu.vector_store %arg19[%swap3A_214, %swap3A_215], %mul3A_213 {strides = array<i32>} : memref<128x5248xf32, #tpu.memory_space<vmem>>, vector<128x128xf32>,
    %get3A_217 = arith.constant 2816 : index
    %get3A_218 = arith.constant 0 : index
    %get3A_219 = vector.load %arg1[%get3A_217, %get3A_218] : memref<5248x128xf32, #tpu.memory_space<vmem>>, vector<128x128xf32>
    %get3A_220 = arith.constant 2816 : index
    %get3A_221 = arith.constant 0 : index
    %get3A_222 = vector.load %arg2[%get3A_220, %get3A_221] : memref<5248x128xf32, #tpu.memory_space<vmem>>, vector<128x128xf32>
    %mul3A_223 = arith.mulf %get3A_219, %get3A_222 : vector<128x128xf32>
    %swap3A_224 = arith.constant 0 : index
    %swap3A_225 = arith.constant 2816 : index
    %swap3A_226 = vector.load %arg19[%swap3A_224, %swap3A_225] : memref<128x5248xf32, #tpu.memory_space<vmem>>, vector<128x128xf32>
    tpu.vector_store %arg19[%swap3A_224, %swap3A_225], %mul3A_223 {strides = array<i32>} : memref<128x5248xf32, #tpu.memory_space<vmem>>, vector<128x128xf32>,
    %get3A_227 = arith.constant 2944 : index
    %get3A_228 = arith.constant 0 : index
    %get3A_229 = vector.load %arg1[%get3A_227, %get3A_228] : memref<5248x128xf32, #tpu.memory_space<vmem>>, vector<128x128xf32>
    %get3A_230 = arith.constant 2944 : index
    %get3A_231 = arith.constant 0 : index
    %get3A_232 = vector.load %arg2[%get3A_230, %get3A_231] : memref<5248x128xf32, #tpu.memory_space<vmem>>, vector<128x128xf32>
    %mul3A_233 = arith.mulf %get3A_229, %get3A_232 : vector<128x128xf32>
    %swap3A_234 = arith.constant 0 : index
    %swap3A_235 = arith.constant 2944 : index
    %swap3A_236 = vector.load %arg19[%swap3A_234, %swap3A_235] : memref<128x5248xf32, #tpu.memory_space<vmem>>, vector<128x128xf32>
    tpu.vector_store %arg19[%swap3A_234, %swap3A_235], %mul3A_233 {strides = array<i32>} : memref<128x5248xf32, #tpu.memory_space<vmem>>, vector<128x128xf32>,
    %get3A_237 = arith.constant 3072 : index
    %get3A_238 = arith.constant 0 : index
    %get3A_239 = vector.load %arg1[%get3A_237, %get3A_238] : memref<5248x128xf32, #tpu.memory_space<vmem>>, vector<128x128xf32>
    %get3A_240 = arith.constant 3072 : index
    %get3A_241 = arith.constant 0 : index
    %get3A_242 = vector.load %arg2[%get3A_240, %get3A_241] : memref<5248x128xf32, #tpu.memory_space<vmem>>, vector<128x128xf32>
    %mul3A_243 = arith.mulf %get3A_239, %get3A_242 : vector<128x128xf32>
    %swap3A_244 = arith.constant 0 : index
    %swap3A_245 = arith.constant 3072 : index
    %swap3A_246 = vector.load %arg19[%swap3A_244, %swap3A_245] : memref<128x5248xf32, #tpu.memory_space<vmem>>, vector<128x128xf32>
    tpu.vector_store %arg19[%swap3A_244, %swap3A_245], %mul3A_243 {strides = array<i32>} : memref<128x5248xf32, #tpu.memory_space<vmem>>, vector<128x128xf32>,
    %get3A_247 = arith.constant 3200 : index
    %get3A_248 = arith.constant 0 : index
    %get3A_249 = vector.load %arg1[%get3A_247, %get3A_248] : memref<5248x128xf32, #tpu.memory_space<vmem>>, vector<128x128xf32>
    %get3A_250 = arith.constant 3200 : index
    %get3A_251 = arith.constant 0 : index
    %get3A_252 = vector.load %arg2[%get3A_250, %get3A_251] : memref<5248x128xf32, #tpu.memory_space<vmem>>, vector<128x128xf32>
    %mul3A_253 = arith.mulf %get3A_249, %get3A_252 : vector<128x128xf32>
    %swap3A_254 = arith.constant 0 : index
    %swap3A_255 = arith.constant 3200 : index
    %swap3A_256 = vector.load %arg19[%swap3A_254, %swap3A_255] : memref<128x5248xf32, #tpu.memory_space<vmem>>, vector<128x128xf32>
    tpu.vector_store %arg19[%swap3A_254, %swap3A_255], %mul3A_253 {strides = array<i32>} : memref<128x5248xf32, #tpu.memory_space<vmem>>, vector<128x128xf32>,
    %get3A_257 = arith.constant 3328 : index
    %get3A_258 = arith.constant 0 : index
    %get3A_259 = vector.load %arg1[%get3A_257, %get3A_258] : memref<5248x128xf32, #tpu.memory_space<vmem>>, vector<128x128xf32>
    %get3A_260 = arith.constant 3328 : index
    %get3A_261 = arith.constant 0 : index
    %get3A_262 = vector.load %arg2[%get3A_260, %get3A_261] : memref<5248x128xf32, #tpu.memory_space<vmem>>, vector<128x128xf32>
    %mul3A_263 = arith.mulf %get3A_259, %get3A_262 : vector<128x128xf32>
    %swap3A_264 = arith.constant 0 : index
    %swap3A_265 = arith.constant 3328 : index
    %swap3A_266 = vector.load %arg19[%swap3A_264, %swap3A_265] : memref<128x5248xf32, #tpu.memory_space<vmem>>, vector<128x128xf32>
    tpu.vector_store %arg19[%swap3A_264, %swap3A_265], %mul3A_263 {strides = array<i32>} : memref<128x5248xf32, #tpu.memory_space<vmem>>, vector<128x128xf32>,
    %get3A_267 = arith.constant 3456 : index
    %get3A_268 = arith.constant 0 : index
    %get3A_269 = vector.load %arg1[%get3A_267, %get3A_268] : memref<5248x128xf32, #tpu.memory_space<vmem>>, vector<128x128xf32>
    %get3A_270 = arith.constant 3456 : index
    %get3A_271 = arith.constant 0 : index
    %get3A_272 = vector.load %arg2[%get3A_270, %get3A_271] : memref<5248x128xf32, #tpu.memory_space<vmem>>, vector<128x128xf32>
    %mul3A_273 = arith.mulf %get3A_269, %get3A_272 : vector<128x128xf32>
    %swap3A_274 = arith.constant 0 : index
    %swap3A_275 = arith.constant 3456 : index
    %swap3A_276 = vector.load %arg19[%swap3A_274, %swap3A_275] : memref<128x5248xf32, #tpu.memory_space<vmem>>, vector<128x128xf32>
    tpu.vector_store %arg19[%swap3A_274, %swap3A_275], %mul3A_273 {strides = array<i32>} : memref<128x5248xf32, #tpu.memory_space<vmem>>, vector<128x128xf32>,
    %get3A_277 = arith.constant 3584 : index
    %get3A_278 = arith.constant 0 : index
    %get3A_279 = vector.load %arg1[%get3A_277, %get3A_278] : memref<5248x128xf32, #tpu.memory_space<vmem>>, vector<128x128xf32>
    %get3A_280 = arith.constant 3584 : index
    %get3A_281 = arith.constant 0 : index
    %get3A_282 = vector.load %arg2[%get3A_280, %get3A_281] : memref<5248x128xf32, #tpu.memory_space<vmem>>, vector<128x128xf32>
    %mul3A_283 = arith.mulf %get3A_279, %get3A_282 : vector<128x128xf32>
    %swap3A_284 = arith.constant 0 : index
    %swap3A_285 = arith.constant 3584 : index
    %swap3A_286 = vector.load %arg19[%swap3A_284, %swap3A_285] : memref<128x5248xf32, #tpu.memory_space<vmem>>, vector<128x128xf32>
    tpu.vector_store %arg19[%swap3A_284, %swap3A_285], %mul3A_283 {strides = array<i32>} : memref<128x5248xf32, #tpu.memory_space<vmem>>, vector<128x128xf32>,
    %get3A_287 = arith.constant 3712 : index
    %get3A_288 = arith.constant 0 : index
    %get3A_289 = vector.load %arg1[%get3A_287, %get3A_288] : memref<5248x128xf32, #tpu.memory_space<vmem>>, vector<128x128xf32>
    %get3A_290 = arith.constant 3712 : index
    %get3A_291 = arith.constant 0 : index
    %get3A_292 = vector.load %arg2[%get3A_290, %get3A_291] : memref<5248x128xf32, #tpu.memory_space<vmem>>, vector<128x128xf32>
    %mul3A_293 = arith.mulf %get3A_289, %get3A_292 : vector<128x128xf32>
    %swap3A_294 = arith.constant 0 : index
    %swap3A_295 = arith.constant 3712 : index
    %swap3A_296 = vector.load %arg19[%swap3A_294, %swap3A_295] : memref<128x5248xf32, #tpu.memory_space<vmem>>, vector<128x128xf32>
    tpu.vector_store %arg19[%swap3A_294, %swap3A_295], %mul3A_293 {strides = array<i32>} : memref<128x5248xf32, #tpu.memory_space<vmem>>, vector<128x128xf32>,
    %get3A_297 = arith.constant 3840 : index
    %get3A_298 = arith.constant 0 : index
    %get3A_299 = vector.load %arg1[%get3A_297, %get3A_298] : memref<5248x128xf32, #tpu.memory_space<vmem>>, vector<128x128xf32>
    %get3A_300 = arith.constant 3840 : index
    %get3A_301 = arith.constant 0 : index
    %get3A_302 = vector.load %arg2[%get3A_300, %get3A_301] : memref<5248x128xf32, #tpu.memory_space<vmem>>, vector<128x128xf32>
    %mul3A_303 = arith.mulf %get3A_299, %get3A_302 : vector<128x128xf32>
    %swap3A_304 = arith.constant 0 : index
    %swap3A_305 = arith.constant 3840 : index
    %swap3A_306 = vector.load %arg19[%swap3A_304, %swap3A_305] : memref<128x5248xf32, #tpu.memory_space<vmem>>, vector<128x128xf32>
    tpu.vector_store %arg19[%swap3A_304, %swap3A_305], %mul3A_303 {strides = array<i32>} : memref<128x5248xf32, #tpu.memory_space<vmem>>, vector<128x128xf32>,
    %get3A_307 = arith.constant 3968 : index
    %get3A_308 = arith.constant 0 : index
    %get3A_309 = vector.load %arg1[%get3A_307, %get3A_308] : memref<5248x128xf32, #tpu.memory_space<vmem>>, vector<128x128xf32>
    %get3A_310 = arith.constant 3968 : index
    %get3A_311 = arith.constant 0 : index
    %get3A_312 = vector.load %arg2[%get3A_310, %get3A_311] : memref<5248x128xf32, #tpu.memory_space<vmem>>, vector<128x128xf32>
    %mul3A_313 = arith.mulf %get3A_309, %get3A_312 : vector<128x128xf32>
    %swap3A_314 = arith.constant 0 : index
    %swap3A_315 = arith.constant 3968 : index
    %swap3A_316 = vector.load %arg19[%swap3A_314, %swap3A_315] : memref<128x5248xf32, #tpu.memory_space<vmem>>, vector<128x128xf32>
    tpu.vector_store %arg19[%swap3A_314, %swap3A_315], %mul3A_313 {strides = array<i32>} : memref<128x5248xf32, #tpu.memory_space<vmem>>, vector<128x128xf32>,
    %get3A_317 = arith.constant 4096 : index
    %get3A_318 = arith.constant 0 : index
    %get3A_319 = vector.load %arg1[%get3A_317, %get3A_318] : memref<5248x128xf32, #tpu.memory_space<vmem>>, vector<128x128xf32>
    %get3A_320 = arith.constant 4096 : index
    %get3A_321 = arith.constant 0 : index
    %get3A_322 = vector.load %arg2[%get3A_320, %get3A_321] : memref<5248x128xf32, #tpu.memory_space<vmem>>, vector<128x128xf32>
    %mul3A_323 = arith.mulf %get3A_319, %get3A_322 : vector<128x128xf32>
    %swap3A_324 = arith.constant 0 : index
    %swap3A_325 = arith.constant 4096 : index
    %swap3A_326 = vector.load %arg19[%swap3A_324, %swap3A_325] : memref<128x5248xf32, #tpu.memory_space<vmem>>, vector<128x128xf32>
    tpu.vector_store %arg19[%swap3A_324, %swap3A_325], %mul3A_323 {strides = array<i32>} : memref<128x5248xf32, #tpu.memory_space<vmem>>, vector<128x128xf32>,
    %get3A_327 = arith.constant 4224 : index
    %get3A_328 = arith.constant 0 : index
    %get3A_329 = vector.load %arg1[%get3A_327, %get3A_328] : memref<5248x128xf32, #tpu.memory_space<vmem>>, vector<128x128xf32>
    %get3A_330 = arith.constant 4224 : index
    %get3A_331 = arith.constant 0 : index
    %get3A_332 = vector.load %arg2[%get3A_330, %get3A_331] : memref<5248x128xf32, #tpu.memory_space<vmem>>, vector<128x128xf32>
    %mul3A_333 = arith.mulf %get3A_329, %get3A_332 : vector<128x128xf32>
    %swap3A_334 = arith.constant 0 : index
    %swap3A_335 = arith.constant 4224 : index
    %swap3A_336 = vector.load %arg19[%swap3A_334, %swap3A_335] : memref<128x5248xf32, #tpu.memory_space<vmem>>, vector<128x128xf32>
    tpu.vector_store %arg19[%swap3A_334, %swap3A_335], %mul3A_333 {strides = array<i32>} : memref<128x5248xf32, #tpu.memory_space<vmem>>, vector<128x128xf32>,
    %get3A_337 = arith.constant 4352 : index
    %get3A_338 = arith.constant 0 : index
    %get3A_339 = vector.load %arg1[%get3A_337, %get3A_338] : memref<5248x128xf32, #tpu.memory_space<vmem>>, vector<128x128xf32>
    %get3A_340 = arith.constant 4352 : index
    %get3A_341 = arith.constant 0 : index
    %get3A_342 = vector.load %arg2[%get3A_340, %get3A_341] : memref<5248x128xf32, #tpu.memory_space<vmem>>, vector<128x128xf32>
    %mul3A_343 = arith.mulf %get3A_339, %get3A_342 : vector<128x128xf32>
    %swap3A_344 = arith.constant 0 : index
    %swap3A_345 = arith.constant 4352 : index
    %swap3A_346 = vector.load %arg19[%swap3A_344, %swap3A_345] : memref<128x5248xf32, #tpu.memory_space<vmem>>, vector<128x128xf32>
    tpu.vector_store %arg19[%swap3A_344, %swap3A_345], %mul3A_343 {strides = array<i32>} : memref<128x5248xf32, #tpu.memory_space<vmem>>, vector<128x128xf32>,
    %get3A_347 = arith.constant 4480 : index
    %get3A_348 = arith.constant 0 : index
    %get3A_349 = vector.load %arg1[%get3A_347, %get3A_348] : memref<5248x128xf32, #tpu.memory_space<vmem>>, vector<128x128xf32>
    %get3A_350 = arith.constant 4480 : index
    %get3A_351 = arith.constant 0 : index
    %get3A_352 = vector.load %arg2[%get3A_350, %get3A_351] : memref<5248x128xf32, #tpu.memory_space<vmem>>, vector<128x128xf32>
    %mul3A_353 = arith.mulf %get3A_349, %get3A_352 : vector<128x128xf32>
    %swap3A_354 = arith.constant 0 : index
    %swap3A_355 = arith.constant 4480 : index
    %swap3A_356 = vector.load %arg19[%swap3A_354, %swap3A_355] : memref<128x5248xf32, #tpu.memory_space<vmem>>, vector<128x128xf32>
    tpu.vector_store %arg19[%swap3A_354, %swap3A_355], %mul3A_353 {strides = array<i32>} : memref<128x5248xf32, #tpu.memory_space<vmem>>, vector<128x128xf32>,
    %get3A_357 = arith.constant 4608 : index
    %get3A_358 = arith.constant 0 : index
    %get3A_359 = vector.load %arg1[%get3A_357, %get3A_358] : memref<5248x128xf32, #tpu.memory_space<vmem>>, vector<128x128xf32>
    %get3A_360 = arith.constant 4608 : index
    %get3A_361 = arith.constant 0 : index
    %get3A_362 = vector.load %arg2[%get3A_360, %get3A_361] : memref<5248x128xf32, #tpu.memory_space<vmem>>, vector<128x128xf32>
    %mul3A_363 = arith.mulf %get3A_359, %get3A_362 : vector<128x128xf32>
    %swap3A_364 = arith.constant 0 : index
    %swap3A_365 = arith.constant 4608 : index
    %swap3A_366 = vector.load %arg19[%swap3A_364, %swap3A_365] : memref<128x5248xf32, #tpu.memory_space<vmem>>, vector<128x128xf32>
    tpu.vector_store %arg19[%swap3A_364, %swap3A_365], %mul3A_363 {strides = array<i32>} : memref<128x5248xf32, #tpu.memory_space<vmem>>, vector<128x128xf32>,
    %get3A_367 = arith.constant 4736 : index
    %get3A_368 = arith.constant 0 : index
    %get3A_369 = vector.load %arg1[%get3A_367, %get3A_368] : memref<5248x128xf32, #tpu.memory_space<vmem>>, vector<128x128xf32>
    %get3A_370 = arith.constant 4736 : index
    %get3A_371 = arith.constant 0 : index
    %get3A_372 = vector.load %arg2[%get3A_370, %get3A_371] : memref<5248x128xf32, #tpu.memory_space<vmem>>, vector<128x128xf32>
    %mul3A_373 = arith.mulf %get3A_369, %get3A_372 : vector<128x128xf32>
    %swap3A_374 = arith.constant 0 : index
    %swap3A_375 = arith.constant 4736 : index
    %swap3A_376 = vector.load %arg19[%swap3A_374, %swap3A_375] : memref<128x5248xf32, #tpu.memory_space<vmem>>, vector<128x128xf32>
    tpu.vector_store %arg19[%swap3A_374, %swap3A_375], %mul3A_373 {strides = array<i32>} : memref<128x5248xf32, #tpu.memory_space<vmem>>, vector<128x128xf32>,
    %get3A_377 = arith.constant 4864 : index
    %get3A_378 = arith.constant 0 : index
    %get3A_379 = vector.load %arg1[%get3A_377, %get3A_378] : memref<5248x128xf32, #tpu.memory_space<vmem>>, vector<128x128xf32>
    %get3A_380 = arith.constant 4864 : index
    %get3A_381 = arith.constant 0 : index
    %get3A_382 = vector.load %arg2[%get3A_380, %get3A_381] : memref<5248x128xf32, #tpu.memory_space<vmem>>, vector<128x128xf32>
    %mul3A_383 = arith.mulf %get3A_379, %get3A_382 : vector<128x128xf32>
    %swap3A_384 = arith.constant 0 : index
    %swap3A_385 = arith.constant 4864 : index
    %swap3A_386 = vector.load %arg19[%swap3A_384, %swap3A_385] : memref<128x5248xf32, #tpu.memory_space<vmem>>, vector<128x128xf32>
    tpu.vector_store %arg19[%swap3A_384, %swap3A_385], %mul3A_383 {strides = array<i32>} : memref<128x5248xf32, #tpu.memory_space<vmem>>, vector<128x128xf32>,
    %get3A_387 = arith.constant 4992 : index
    %get3A_388 = arith.constant 0 : index
    %get3A_389 = vector.load %arg1[%get3A_387, %get3A_388] : memref<5248x128xf32, #tpu.memory_space<vmem>>, vector<128x128xf32>
    %get3A_390 = arith.constant 4992 : index
    %get3A_391 = arith.constant 0 : index
    %get3A_392 = vector.load %arg2[%get3A_390, %get3A_391] : memref<5248x128xf32, #tpu.memory_space<vmem>>, vector<128x128xf32>
    %mul3A_393 = arith.mulf %get3A_389, %get3A_392 : vector<128x128xf32>
    %swap3A_394 = arith.constant 0 : index
    %swap3A_395 = arith.constant 4992 : index
    %swap3A_396 = vector.load %arg19[%swap3A_394, %swap3A_395] : memref<128x5248xf32, #tpu.memory_space<vmem>>, vector<128x128xf32>
    tpu.vector_store %arg19[%swap3A_394, %swap3A_395], %mul3A_393 {strides = array<i32>} : memref<128x5248xf32, #tpu.memory_space<vmem>>, vector<128x128xf32>,
    %get3A_397 = arith.constant 5120 : index
    %get3A_398 = arith.constant 0 : index
    %get3A_399 = vector.load %arg1[%get3A_397, %get3A_398] : memref<5248x128xf32, #tpu.memory_space<vmem>>, vector<128x128xf32>
    %get3A_400 = arith.constant 5120 : index
    %get3A_401 = arith.constant 0 : index
    %get3A_402 = vector.load %arg2[%get3A_400, %get3A_401] : memref<5248x128xf32, #tpu.memory_space<vmem>>, vector<128x128xf32>
    %mul3A_403 = arith.mulf %get3A_399, %get3A_402 : vector<128x128xf32>
    %swap3A_404 = arith.constant 0 : index
    %swap3A_405 = arith.constant 5120 : index
    %swap3A_406 = vector.load %arg19[%swap3A_404, %swap3A_405] : memref<128x5248xf32, #tpu.memory_space<vmem>>, vector<128x128xf32>
    tpu.vector_store %arg19[%swap3A_404, %swap3A_405], %mul3A_403 {strides = array<i32>} : memref<128x5248xf32, #tpu.memory_space<vmem>>, vector<128x128xf32>,
    %get3A_407 = arith.constant 0 : index
    %get3A_408 = arith.constant 0 : index
    %get3A_409 = vector.load %arg19[%get3A_407, %get3A_408] : memref<128x5248xf32, #tpu.memory_space<vmem>>, vector<128x5248xf32>
    %get3A_410 = arith.constant 0 : index
    %get3A_411 = arith.constant 0 : index
    %get3A_412 = vector.load %arg4[%get3A_410, %get3A_411] : memref<1x5248xf32, #tpu.memory_space<vmem>>, vector<1x5248xf32>
    %mul3A_413 = vector.broadcast %get3A_412 : vector<1x5248xf32> to vector<128x5248xf32>
    %mul3A_414 = arith.mulf %get3A_409, %mul3A_413 : vector<128x5248xf32>
    %convert_element_type3A = arith.truncf %mul3A_414 : vector<128x5248xf32> to vector<128x5248xbf16>
    %get3A_415 = arith.constant 0 : index
    %get3A_416 = arith.constant 0 : index
    %get3A_417 = vector.load %arg6[%get3A_415, %get3A_416] : memref<5248x328xbf16, #tpu.memory_space<vmem>>, vector<5248x328xbf16>
    %dot_general3A = arith.constant dense<0.000000e+00> : vector<128x328xf32>
    %dot_general3A_418 = tpu.matmul %convert_element_type3A, %get3A_417, %dot_general3A {dimension_numbers = #tpu.dot_dimension_numbers<[1], [0], [0], [1], [0, 0, 1, 1], [], []>, transpose_lhs_hint = false} : vector<128x5248xbf16>, vector<5248x328xbf16>, vector<128x328xf32> -> vector<128x328xf32>
    %get3A_419 = arith.constant 0 : index
    %get3A_420 = arith.constant 0 : index
    %get3A_421 = vector.load %arg5[%get3A_419, %get3A_420] : memref<1x328xf32, #tpu.memory_space<vmem>>, vector<1x328xf32>
    %add3A = vector.broadcast %get3A_421 : vector<1x328xf32> to vector<128x328xf32>
    %add3A_422 = arith.addf %dot_general3A_418, %add3A : vector<128x328xf32>
    %get3A_423 = arith.constant 0 : index
    %get3A_424 = arith.constant 0 : index
    %get3A_425 = vector.load %arg8[%get3A_423, %get3A_424] : memref<328x162xf32, #tpu.memory_space<vmem>>, vector<328x162xf32>
    %dot_general3A_426 = arith.constant dense<0.000000e+00> : vector<128x162xf32>
    %dot_general3A_427 = tpu.matmul %add3A_422, %get3A_425, %dot_general3A_426 {dimension_numbers = #tpu.dot_dimension_numbers<[1], [0], [0], [1], [0, 0, 1, 1], [], []>, transpose_lhs_hint = false} : vector<128x328xf32>, vector<328x162xf32>, vector<128x162xf32> -> vector<128x162xf32>
    %get3A_428 = arith.constant 0 : index
    %get3A_429 = arith.constant 0 : index
    %get3A_430 = vector.load %arg9[%get3A_428, %get3A_429] : memref<1x162xf32, #tpu.memory_space<vmem>>, vector<1x162xf32>
    %add3A_431 = vector.broadcast %get3A_430 : vector<1x162xf32> to vector<128x162xf32>
    %add3A_432 = arith.addf %dot_general3A_427, %add3A_431 : vector<128x162xf32>
    %max3A = arith.constant 0.000000e+00 : f32
    %max3A_433 = vector.broadcast %max3A : f32 to vector<128x162xf32>
    %max3A_434 = arith.maximumf %add3A_432, %max3A_433 : vector<128x162xf32>
    %get3A_435 = arith.constant 0 : index
    %get3A_436 = arith.constant 0 : index
    %get3A_437 = vector.load %arg10[%get3A_435, %get3A_436] : memref<162x328xf32, #tpu.memory_space<vmem>>, vector<162x328xf32>
    %dot_general3A_438 = arith.constant dense<0.000000e+00> : vector<128x328xf32>
    %dot_general3A_439 = tpu.matmul %max3A_434, %get3A_437, %dot_general3A_438 {dimension_numbers = #tpu.dot_dimension_numbers<[1], [0], [0], [1], [0, 0, 1, 1], [], []>, transpose_lhs_hint = false} : vector<128x162xf32>, vector<162x328xf32>, vector<128x328xf32> -> vector<128x328xf32>
    %get3A_440 = arith.constant 0 : index
    %get3A_441 = arith.constant 0 : index
    %get3A_442 = vector.load %arg11[%get3A_440, %get3A_441] : memref<1x328xf32, #tpu.memory_space<vmem>>, vector<1x328xf32>
    %add3A_443 = vector.broadcast %get3A_442 : vector<1x328xf32> to vector<128x328xf32>
    %add3A_444 = arith.addf %dot_general3A_439, %add3A_443 : vector<128x328xf32>
    %max3A_445 = arith.constant 0.000000e+00 : f32
    %max3A_446 = vector.broadcast %max3A_445 : f32 to vector<128x328xf32>
    %max3A_447 = arith.maximumf %add3A_444, %max3A_446 : vector<128x328xf32>
    %convert_element_type3A_448 = arith.truncf %max3A_447 : vector<128x328xf32> to vector<128x328xbf16>
    %get3A_449 = arith.constant 0 : index
    %get3A_450 = arith.constant 0 : index
    %get3A_451 = vector.load %arg7[%get3A_449, %get3A_450] : memref<328x5248xbf16, #tpu.memory_space<vmem>>, vector<328x5248xbf16>
    %dot_general3A_452 = arith.constant dense<0.000000e+00> : vector<128x5248xf32>
    %dot_general3A_453 = tpu.matmul %convert_element_type3A_448, %get3A_451, %dot_general3A_452 {dimension_numbers = #tpu.dot_dimension_numbers<[1], [0], [0], [1], [0, 0, 1, 1], [], []>, transpose_lhs_hint = false} : vector<128x328xbf16>, vector<328x5248xbf16>, vector<128x5248xf32> -> vector<128x5248xf32>
    %mul3A_454 = arith.mulf %get3A_409, %dot_general3A_453 : vector<128x5248xf32>
    %convert_element_type3A_455 = arith.truncf %mul3A_454 : vector<128x5248xf32> to vector<128x5248xbf16>
    %get3A_456 = arith.constant 0 : index
    %get3A_457 = arith.constant 0 : index
    %get3A_458 = vector.load %arg12[%get3A_456, %get3A_457] : memref<5248x1024xbf16, #tpu.memory_space<vmem>>, vector<5248x1024xbf16>
    %dot_general3A_459 = arith.constant dense<0.000000e+00> : vector<128x1024xf32>
    %dot_general3A_460 = tpu.matmul %convert_element_type3A_455, %get3A_458, %dot_general3A_459 {dimension_numbers = #tpu.dot_dimension_numbers<[1], [0], [0], [1], [0, 0, 1, 1], [], []>, transpose_lhs_hint = false} : vector<128x5248xbf16>, vector<5248x1024xbf16>, vector<128x1024xf32> -> vector<128x1024xf32>
    %get3A_461 = arith.constant 0 : index
    %get3A_462 = arith.constant 0 : index
    %get3A_463 = vector.load %arg13[%get3A_461, %get3A_462] : memref<1x1024xf32, #tpu.memory_space<vmem>>, vector<1x1024xf32>
    %add3A_464 = vector.broadcast %get3A_463 : vector<1x1024xf32> to vector<128x1024xf32>
    %add3A_465 = arith.addf %dot_general3A_460, %add3A_464 : vector<128x1024xf32>
    %max3A_466 = arith.constant 0.000000e+00 : f32
    %max3A_467 = vector.broadcast %max3A_466 : f32 to vector<128x1024xf32>
    %max3A_468 = arith.maximumf %add3A_465, %max3A_467 : vector<128x1024xf32>
    %convert_element_type3A_469 = arith.truncf %max3A_468 : vector<128x1024xf32> to vector<128x1024xbf16>
    %get3A_470 = arith.constant 0 : index
    %get3A_471 = arith.constant 0 : index
    %get3A_472 = vector.load %arg14[%get3A_470, %get3A_471] : memref<1024x512xbf16, #tpu.memory_space<vmem>>, vector<1024x512xbf16>
    %dot_general3A_473 = arith.constant dense<0.000000e+00> : vector<128x512xf32>
    %dot_general3A_474 = tpu.matmul %convert_element_type3A_469, %get3A_472, %dot_general3A_473 {dimension_numbers = #tpu.dot_dimension_numbers<[1], [0], [0], [1], [0, 0, 1, 1], [], []>, transpose_lhs_hint = false} : vector<128x1024xbf16>, vector<1024x512xbf16>, vector<128x512xf32> -> vector<128x512xf32>
    %get3A_475 = arith.constant 0 : index
    %get3A_476 = arith.constant 0 : index
    %get3A_477 = vector.load %arg15[%get3A_475, %get3A_476] : memref<1x512xf32, #tpu.memory_space<vmem>>, vector<1x512xf32>
    %add3A_478 = vector.broadcast %get3A_477 : vector<1x512xf32> to vector<128x512xf32>
    %add3A_479 = arith.addf %dot_general3A_474, %add3A_478 : vector<128x512xf32>
    %max3A_480 = arith.constant 0.000000e+00 : f32
    %max3A_481 = vector.broadcast %max3A_480 : f32 to vector<128x512xf32>
    %max3A_482 = arith.maximumf %add3A_479, %max3A_481 : vector<128x512xf32>
    %get3A_483 = arith.constant 0 : index
    %get3A_484 = arith.constant 0 : index
    %get3A_485 = vector.load %arg3[%get3A_483, %get3A_484] : memref<128x416xf32, #tpu.memory_space<vmem>>, vector<128x416xf32>
    %reduce_sum3A = arith.constant dense<0.000000e+00> : vector<128xf32>
    %reduce_sum3A_486 = vector.multi_reduction <add>, %get3A_485, %reduce_sum3A [1] : vector<128x416xf32> to vector<128xf32>
    %broadcast_in_dim3A = vector.shape_cast %reduce_sum3A_486 : vector<128xf32> to vector<128x1xf32>
    %get3A_487 = arith.constant 0 : index
    %get3A_488 = arith.constant 0 : index
    %get3A_489 = vector.load %arg16[%get3A_487, %get3A_488] : memref<1x512xf32, #tpu.memory_space<vmem>>, vector<1x512xf32>
    %mul3A_490 = vector.broadcast %get3A_489 : vector<1x512xf32> to vector<128x512xf32>
    %mul3A_491 = arith.mulf %max3A_482, %mul3A_490 : vector<128x512xf32>
    %reduce_sum3A_492 = arith.constant dense<0.000000e+00> : vector<128xf32>
    %reduce_sum3A_493 = vector.multi_reduction <add>, %mul3A_491, %reduce_sum3A_492 [1] : vector<128x512xf32> to vector<128xf32>
    %broadcast_in_dim3A_494 = vector.shape_cast %reduce_sum3A_493 : vector<128xf32> to vector<128x1xf32>
    %get3A_495 = arith.constant 0 : index
    %get3A_496 = arith.constant 0 : index
    %get3A_497 = vector.load %arg17[%get3A_495, %get3A_496] : memref<1x1xf32, #tpu.memory_space<vmem>>, vector<1x1xf32>
    %add3A_498 = vector.broadcast %get3A_497 : vector<1x1xf32> to vector<128x1xf32>
    %add3A_499 = arith.addf %broadcast_in_dim3A_494, %add3A_498 : vector<128x1xf32>
    %add3A_500 = arith.addf %add3A_499, %broadcast_in_dim3A : vector<128x1xf32>
    %neg3A = arith.constant 0.000000e+00 : f32
    %neg3A_501 = vector.broadcast %neg3A : f32 to vector<128x1xf32>
    %neg3A_502 = arith.subf %neg3A_501, %add3A_500 : vector<128x1xf32>
    %exp3A = math.exp %neg3A_502 : vector<128x1xf32>
    %add3A_503 = arith.constant 1.000000e+00 : f32
    %add3A_504 = vector.broadcast %add3A_503 : f32 to vector<128x1xf32>
    %add3A_505 = arith.addf %add3A_504, %exp3A : vector<128x1xf32>
    %div3A = arith.constant 1.000000e+00 : f32
    %div3A_506 = vector.broadcast %div3A : f32 to vector<128x1xf32>
    %div3A_507 = arith.divf %div3A_506, %add3A_505 : vector<128x1xf32>
    %swap3A_508 = arith.constant 0 : index
    %swap3A_509 = arith.constant 0 : index
    %swap3A_510 = vector.load %arg18[%swap3A_508, %swap3A_509] : memref<128x1xf32, #tpu.memory_space<vmem>>, vector<128x1xf32>
    tpu.vector_store %arg18[%swap3A_508, %swap3A_509], %div3A_507 {strides = array<i32>} : memref<128x1xf32, #tpu.memory_space<vmem>>, vector<128x1xf32>,
    return
  }
  func.func @transform_0(%arg0: i32) -> (i32, i32) {
    %c0_i32 = arith.constant 0 : i32
    %c0_i32_0 = arith.constant 0 : i32
    return %arg0, %c0_i32 : i32, i32
  }
  func.func @transform_1(%arg0: i32) -> (i32, i32) {
    %c0_i32 = arith.constant 0 : i32
    %c0_i32_0 = arith.constant 0 : i32
    return %arg0, %c0_i32 : i32, i32
  }
  func.func @transform_2(%arg0: i32) -> (i32, i32) {
    %c0_i32 = arith.constant 0 : i32
    %c0_i32_0 = arith.constant 0 : i32
    return %arg0, %c0_i32 : i32, i32
  }
  func.func @transform_3(%arg0: i32) -> (i32, i32) {
    %c0_i32 = arith.constant 0 : i32
    %c0_i32_0 = arith.constant 0 : i32
    %c0_i32_1 = arith.constant 0 : i32
    return %c0_i32, %c0_i32_0 : i32, i32
  }
  func.func @transform_4(%arg0: i32) -> (i32, i32) {
    %c0_i32 = arith.constant 0 : i32
    %c0_i32_0 = arith.constant 0 : i32
    %c0_i32_1 = arith.constant 0 : i32
    return %c0_i32, %c0_i32_0 : i32, i32
  }
  func.func @transform_5(%arg0: i32) -> (i32, i32) {
    %c0_i32 = arith.constant 0 : i32
    %c0_i32_0 = arith.constant 0 : i32
    %c0_i32_1 = arith.constant 0 : i32
    return %c0_i32, %c0_i32_0 : i32, i32
  }
  func.func @transform_6(%arg0: i32) -> (i32, i32) {
    %c0_i32 = arith.constant 0 : i32
    %c0_i32_0 = arith.constant 0 : i32
    %c0_i32_1 = arith.constant 0 : i32
    return %c0_i32, %c0_i32_0 : i32, i32
  }
  func.func @transform_7(%arg0: i32) -> (i32, i32) {
    %c0_i32 = arith.constant 0 : i32
    %c0_i32_0 = arith.constant 0 : i32
    %c0_i32_1 = arith.constant 0 : i32
    return %c0_i32, %c0_i32_0 : i32, i32
  }
  func.func @transform_8(%arg0: i32) -> (i32, i32) {
    %c0_i32 = arith.constant 0 : i32
    %c0_i32_0 = arith.constant 0 : i32
    %c0_i32_1 = arith.constant 0 : i32
    return %c0_i32, %c0_i32_0 : i32, i32
  }
  func.func @transform_9(%arg0: i32) -> (i32, i32) {
    %c0_i32 = arith.constant 0 : i32
    %c0_i32_0 = arith.constant 0 : i32
    %c0_i32_1 = arith.constant 0 : i32
    return %c0_i32, %c0_i32_0 : i32, i32
  }
  func.func @transform_10(%arg0: i32) -> (i32, i32) {
    %c0_i32 = arith.constant 0 : i32
    %c0_i32_0 = arith.constant 0 : i32
    %c0_i32_1 = arith.constant 0 : i32
    return %c0_i32, %c0_i32_0 : i32, i32
  }
  func.func @transform_11(%arg0: i32) -> (i32, i32) {
    %c0_i32 = arith.constant 0 : i32
    %c0_i32_0 = arith.constant 0 : i32
    %c0_i32_1 = arith.constant 0 : i32
    return %c0_i32, %c0_i32_0 : i32, i32
  }
  func.func @transform_12(%arg0: i32) -> (i32, i32) {
    %c0_i32 = arith.constant 0 : i32
    %c0_i32_0 = arith.constant 0 : i32
    %c0_i32_1 = arith.constant 0 : i32
    return %c0_i32, %c0_i32_0 : i32, i32
  }
  func.func @transform_13(%arg0: i32) -> (i32, i32) {
    %c0_i32 = arith.constant 0 : i32
    %c0_i32_0 = arith.constant 0 : i32
    %c0_i32_1 = arith.constant 0 : i32
    return %c0_i32, %c0_i32_0 : i32, i32
  }
  func.func @transform_14(%arg0: i32) -> (i32, i32) {
    %c0_i32 = arith.constant 0 : i32
    %c0_i32_0 = arith.constant 0 : i32
    %c0_i32_1 = arith.constant 0 : i32
    return %c0_i32, %c0_i32_0 : i32, i32
  }
  func.func @transform_15(%arg0: i32) -> (i32, i32) {
    %c0_i32 = arith.constant 0 : i32
    %c0_i32_0 = arith.constant 0 : i32
    %c0_i32_1 = arith.constant 0 : i32
    return %c0_i32, %c0_i32_0 : i32, i32
  }
  func.func @transform_16(%arg0: i32) -> (i32, i32) {
    %c0_i32 = arith.constant 0 : i32
    %c0_i32_0 = arith.constant 0 : i32
    %c0_i32_1 = arith.constant 0 : i32
    return %c0_i32, %c0_i32_0 : i32, i32
  }
  func.func @transform_17(%arg0: i32) -> (i32, i32) {
    %c0_i32 = arith.constant 0 : i32
    %c0_i32_0 = arith.constant 0 : i32
    return %arg0, %c0_i32 : i32, i32
  }
}

</mosaic_0001>

<sc_bundles>
// kernel: kernel.4.cloned.1.call-start
scs
__scs_entry_jumppad:
0x0: {  	(pc) =	sbr.rel $0x88, $3  }
0x1: {  	(tag) =	ssettag $0x0;
	lr =	simm.s32 $0x1  }
0x2: {  	[smem:$0x3F91] =	sst lr;
	_ =	strace $0xD0000000  }
0x3: {  	_ = 	snop  }
0x4: {  	_ = 	snop  }
0x5: {  	_ = 	snop  }
0x6: {  	_ = 	snop  }
0x7: {  	_ = 	snop  }
__scs_overlays_trampoline_lowered:
0x8: {  	[smem:$0x3FA0] =	sst s0  }
0x9: {  	[smem:$0x3FA1] =	sst s1  }
0xa: {  	[smem:$0x3FA2] =	sst s2  }
0xb: {  	[smem:$0x3FA3] =	sst s3  }
0xc: {  	[smem:$0x3FA4] =	sst s4  }
0xd: {  	[smem:$0x3FA5] =	sst s5  }
0xe: {  	[smem:$0x3FA6] =	sst s6  }
0xf: {  	[smem:$0x3FA7] =	sst s7  }
0x10: {  	[smem:$0x3FA8] =	sst s8  }
0x11: {  	[smem:$0x3FA9] =	sst s9;
	s0 =	simm.s32 @!p0 $0x0  }
0x12: {  	s1 =	sld [smem:$0x3F8F];
	s0 =	simm.s32 @p0 $0x1  }
0x13: {  	[smem:$0x3FAA] =	sst s0;
	s0 =	simm.s32 @!p1 $0x0  }
0x14: {  	s2 =	sld [smem:$0x3F8E];
	s0 =	simm.s32 @p1 $0x1  }
0x15: {  	[smem:$0x3FAB] =	sst s0;
	s0 =	simm.s32 @!p2 $0x0  }
0x16: {  	s3 =	sld [smem:$0x3FDB];
	s0 =	simm.s32 @p2 $0x1  }
0x17: {  	s4 =	simm.s32 $0x1BF5;
	[smem:$0x3FAD] =	sst s0  }
0x18: {  	s0 =	sld [smem:$0x3F90];
	_ =	swait.ge [sflag:s4], $0x0  }
0x19: {  	s7 =	sld [smem:$0x3F91]  }
0x1a: {  	s8 =	sadd.s32 $0xFFFFE003, lr  }
0x1b: {  	s9 =	sadd.s32 $0xFFFFFEF7, lr;
	s5 =	simm.s32 $0xFFFFFFFF;
	p2 =	slt.u32 s8, $0xFFFFF086  }
0x1c: {  	p1 =	slt.u32 s9, $0xF7A;
	s5 =	simm.s32 @!p2 $0x0  }
0x1d: {  	s5 =	simm.s32 @p1 $0x1;
	p0 =	seq.s32 s7, s2  }
0x1e: {  	s7 =	smul.u32 @!p0 $0xF7A, s2;
	p2 =	seq.s32 @!p0 s5, $0x0  }
0x1f: {  	s9 =	smul.u32 $0xF7A, s1;
	s8 =	simm.s32 @!p0 $0x1BF5;
	p2 =	por !p2, p0  }
0x20: {  	[sflag:s8] =	ssyncset.s32 @!p0 $0xFFFFF086;
	s6 =	sadd.s32 @!p0 s3, s7;
	s7 =	simm.s32 @!p0 $0x108  }
0x21: {  	s3 =	sadd.s32 s3, s9;
	s6 =	sadd.s32 @!p0 $0x88, s6;
	s7 =	simm.s32 @p2 $0x1082  }
0x22: {  	[simem:s7], [sflag:s8] =	dma.local @!p0 [hbm:s6], $0xF7A  }
0x23: {  	s9 =	sor.u32 $0xD0000000, s2;
	s6 =	simm.s32 $0x108;
	_ =	swait.ge @!p0 [sflag:s8], $0x0  }
0x24: {  	s3 =	sadd.s32 $0x88, s3;
	s6 =	simm.s32 @!p1 $0x1082;
	[sflag:s4] =	ssyncset.s32 $0xFFFFF086  }
0x25: {  	[simem:s6], [sflag:s4] =	dma.local [hbm:s3], $0xF7A  }
0x26: {  	[smem:$0x3F91] =	sst s1;
	(tag) =	ssettag s2;
	_ =	strace s9  }
0x27: {  	s1 =	sld [smem:$0x3FA1]  }
0x28: {  	s2 =	sld [smem:$0x3FA2]  }
0x29: {  	s4 =	sld [smem:$0x3FA4]  }
0x2a: {  	p0 =	seq.s32 s5, $0x0;
	s5 =	sld [smem:$0x3FA5]  }
0x2b: {  	s6 =	sld [smem:$0x3FA6]  }
0x2c: {  	s7 =	sld [smem:$0x3FA7]  }
0x2d: {  	s3 =	simm.s32 $0x108;
	s8 =	sld [smem:$0x3FA8]  }
0x2e: {  	s3 =	simm.s32 @!p0 $0x1082;
	s9 =	sld [smem:$0x3FA9]  }
0x2f: {  	lr =	sadd.s32 s0, s3;
	s0 =	sld [smem:$0x3FA0]  }
0x30: {  	s3 =	sld [smem:$0x3FA3]  }
0x31: {  	[smem:$0x3FAC] =	sst s10  }
0x32: {  	s10 =	sld [smem:$0x3FAA];
	_ =	sdelay $0x3  }
0x33: {  	p0 =	seq.s32 s10, $0x1;
	s10 =	sld [smem:$0x3FAC];
	_ =	sdelay $0x3  }
0x34: {  	[smem:$0x3FAC] =	sst s10  }
0x35: {  	s10 =	sld [smem:$0x3FAB];
	_ =	sdelay $0x3  }
0x36: {  	p1 =	seq.s32 s10, $0x1;
	s10 =	sld [smem:$0x3FAC];
	_ =	sdelay $0x3  }
0x37: {  	[smem:$0x3FAC] =	sst s10  }
0x38: {  	s10 =	sld [smem:$0x3FAD]  }
0x39: {  	_ = 	snop;
	(pc) =	sbr.ind lr, $3  }
0x3a: {  	_ = 	snop  }
0x3b: {  	_ = 	snop  }
0x3c: {  	p2 =	seq.s32 s10, $0x1;
	s10 =	sld [smem:$0x3FAC]  }
0x3d: {  	_ =	shalt  }
0x3e: {  	_ =	shalt  }
0x3f: {  	_ =	shalt  }
0x40: {  	_ =	shalt  }
0x41: {  	_ =	shalt  }
0x42: {  	_ =	shalt  }
0x43: {  	_ =	shalt  }
0x44: {  	_ =	shalt  }
0x45: {  	_ =	shalt  }
0x46: {  	_ =	shalt  }
0x47: {  	_ =	shalt  }
0x48: {  	_ =	shalt  }
0x49: {  	_ =	shalt  }
0x4a: {  	_ =	shalt  }
0x4b: {  	_ =	shalt  }
0x4c: {  	_ =	shalt  }
0x4d: {  	_ =	shalt  }
0x4e: {  	_ =	shalt  }
0x4f: {  	_ =	shalt  }
0x50: {  	_ =	shalt  }
0x51: {  	_ =	shalt  }
0x52: {  	_ =	shalt  }
0x53: {  	_ =	shalt  }
0x54: {  	_ =	shalt  }
0x55: {  	_ =	shalt  }
0x56: {  	_ =	shalt  }
0x57: {  	_ =	shalt  }
0x58: {  	_ =	shalt  }
0x59: {  	_ =	shalt  }
0x5a: {  	_ =	shalt  }
0x5b: {  	_ =	shalt  }
0x5c: {  	_ =	shalt  }
0x5d: {  	_ =	shalt  }
0x5e: {  	_ =	shalt  }
0x5f: {  	_ =	shalt  }
0x60: {  	_ =	shalt  }
0x61: {  	_ =	shalt  }
0x62: {  	_ =	shalt  }
0x63: {  	_ =	shalt  }
0x64: {  	_ =	shalt  }
0x65: {  	_ =	shalt  }
0x66: {  	_ =	shalt  }
0x67: {  	_ =	shalt  }
0x68: {  	_ =	shalt  }
0x69: {  	_ =	shalt  }
0x6a: {  	_ =	shalt  }
0x6b: {  	_ =	shalt  }
0x6c: {  	_ =	shalt  }
0x6d: {  	_ =	shalt  }
0x6e: {  	_ =	shalt  }
0x6f: {  	_ =	shalt  }
0x70: {  	_ =	shalt  }
0x71: {  	_ =	shalt  }
0x72: {  	_ =	shalt  }
0x73: {  	_ =	shalt  }
0x74: {  	_ =	shalt  }
0x75: {  	_ =	shalt  }
0x76: {  	_ =	shalt  }
0x77: {  	_ =	shalt  }
0x78: {  	_ =	shalt  }
0x79: {  	_ =	shalt  }
0x7a: {  	_ =	shalt  }
0x7b: {  	_ =	shalt  }
0x7c: {  	_ =	shalt  }
0x7d: {  	_ =	shalt  }
0x7e: {  	_ =	shalt  }
0x7f: {  	_ =	shalt  }
0x80: {  	_ =	shalt  }
0x81: {  	_ =	shalt  }
0x82: {  	_ =	shalt  }
0x83: {  	_ =	shalt  }
0x84: {  	_ =	shalt  }
0x85: {  	_ =	shalt  }
0x86: {  	_ =	shalt  }
0x87: {  	_ =	shalt  }
.Lfunc_end0:
.L_simem_size_0:
called_computation_lowered:
.L_overlay_start_0:
0x88: {  	s2 =	sld [smem:$0x3FD9]  }
0x89: {  	s3 =	sld [smem:$0x3FFE];
	_ =	sdelay $0x1  }
0x8a: {  	s1 =	srdreg.scid  }
0x8b: {  	s0 =	sand.u32 $0x1, s1  }
0x8c: {  	s16 =	sshll.u32 s0, $0xA;
	s2 =	sadd.s32 s3, s2  }
0x8d: {  	s2 =	sadd.s32 s2, s16  }
0x8e: {  	[smem:$0x3FB8] =	sst s2  }
0x8f: {  	_ = 	snop  }
0x90: {  	(tm) =	ssettm $0x1  }
0x91: {  	s17 =	sld [smem:$0x3FFB];
	_ =	sdelay $0x3  }
0x92: {  	_ =	strace s17  }
0x93: {  	s2 =	sld [smem:$0x3FFC];
	_ =	sdelay $0x3  }
0x94: {  	_ =	strace s2  }
0x95: {  	s2 =	sld [smem:$0x3FFD];
	_ =	sdelay $0x3  }
0x96: {  	_ =	strace s2  }
0x97: {  	_ =	strace $0x8FFFFFFF  }
0x98: {  	s18 =	sld [smem:$0x3FDB];
	_ =	sdelay $0x1  }
0x99: {  	s19 =	simm.s32 $_scs_section_size  }
0x9a: {  	s4 =	simm.s32 $_size__tile_overlayer_lowered;
	s5 =	simm.s32 $_tile_overlayer_lowered  }
0x9b: {  	s22 =	simm.s32 $0x1BFF;
	s21 =	sshll.u32 s5, $0x1;
	s2 =	sadd.s32 s19, s18  }
0x9c: {  	s6 =	simm.s32 $0x0;
	s20 =	sshll.u32 s4, $0x1;
	s4 =	sadd.s32 s21, s2  }
0x9d: {  	[timem:s6], [sflag:s22] =	dma.local [hbm:s4], s20  }
0x9e: {  	_ =	swait.ge [sflag:s22], s20  }
0x9f: {  	s3 =	ssub.s32 $0x0, s20;
	[sflag:s22] =	ssyncset.done $0x0  }
0xa0: {  	[sflag:s22] =	ssyncadd.s32 s3;
	_ =	sdelay $0x1  }
0xa1: {  	s23 =	simm.s32 $0x1B8B  }
0xa2: {  	_ =	swait.ge [sflag:s23], $0x1  }
0xa3: {  	[sflag:s23] =	ssyncset.done $0x0  }
0xa4: {  	s25 =	simm.s32 $0x1B8E;
	s24 =	sld [smem:$0x3FFE];
	[sflag:s23] =	ssyncadd.s32 $0xFFFFFFFF  }
0xa5: {  	s26 =	simm.s32 $execute0_lowered;
	[smem:$0x3FD2] =	sst s25  }
0xa6: {  	s4 =	sshll.u32 s26, $0x1;
	_ =	strace $0x80000046;
	[dreg:$0x1] =	wrdreg $0xFFFFFFFF  }
0xa7: {  	s28 =	simm.s32 $_size_execute0_lowered;
	s2 =	sadd.s32 s2, s4;
	[dreg:$0x0] =	wrdreg $0x0  }
0xa8: {  	s4 =	sshll.u32 s28, $0x1;
	[dreg:$0x2] =	wrdreg s2  }
0xa9: {  	[dreg:$0x3] =	wrdreg s4  }
0xaa: {  	[dreg:$0x4] =	wrdreg $0xC0  }
0xab: {  	_ =	task [dreg:s6], $0x5FFFF  }
0xac: {  	[dreg:$0x1] =	wrdreg $0xFFFFFFFF  }
0xad: {  	[dreg:$0x0] =	wrdreg $0x60  }
0xae: {  	[dreg:$0x2] =	wrdreg s24  }
0xaf: {  	[dreg:$0x3] =	wrdreg $0x9  }
0xb0: {  	_ =	task.clear_ibuf [dreg:s6], $0x4FFFF;
	_ =	strace $0x90000046  }
0xb1: {  	s29 =	simm.s32 $0x9;
	_ =	strace $0x80000048  }
0xb2: {  	_ =	swait.ge [sflag:s29], $0x1  }
0xb3: {  	[sflag:s29] =	ssyncadd.s32 $0xFFFFFFFF  }
0xb4: {  	_ =	strace $0x90000048  }
0xb5: {  	_ =	sfence  }
0xb6: {  	s30 =	sld [smem:$0x0];
	_ =	sdelay $0x2  }
0xb7: {  	s31 =	sshll.u32 s1, $0xD;
	s1 =	sshrl.u32 s1, $0x2  }
0xb8: {  	s3 =	sand.u32 $0x4000, s31;
	s1 =	sadd.s32 s1, s30  }
0xb9: {  	s0 =	sor.u32 s3, s0;
	s1 =	sshll.u32 s1, $0x11  }
0xba: {  	s0 =	sor.u32 s1, s0  }
0xbb: {  	s0 =	sadd.s32 $0x8F2B, s0  }
0xbc: {  	[sflag:s0] =	ssyncadd.remote.s32 $0x1  }
0xbd: {  	_ =	sfence.sel $0xFFFF  }
0xbe: {  	[dreg:$0x0] =	wrdreg $0xFFFFFFFF;
	(pc) =	sbr.abs _section_cstart, $3  }
0xbf: {  	[dreg:$0x1] =	wrdreg $0xFFFFFFFF  }
0xc0: {  	_ =	task.clear_ibuf [dreg:s6], $0x2FFFF;
	_ =	strace $0x9FFFFFFF  }
0xc1: {  	(tm) =	ssettm $0x7FFFFFFF  }
tec
execute0_lowered:
.L_overlay_start_1:
0x0: {  	(tag) =	ssettag $0x1  }
0x1: {  	s0 =	rddreg [dreg:$0x0]  }
0x2: {  	s1 =	srdreg.scid;
	s8 =	stileid.u32  }
0x3: {  	s4 =	simm.s32 $0x0;
	s11 =	simm.s32 $0x1400;
	s12 =	simm.s32 $0x480  }
0x4: {  	s14 =	simm.s32 $0x5400;
	s16 =	simm.s32 $0x100;
	s18 =	simm.s32 $0x1C00  }
0x5: {  	s19 =	simm.s32 $0x500;
	s20 =	simm.s32 $0x5C00;
	[smem:$0x7FF] =	sst s4  }
0x6: {  	s21 =	simm.s32 $0x180;
	_ =	strace $0x80000047;
	[dreg:$0x4] =	wrdreg s11  }
0x7: {  	s22 =	simm.s32 $0x2400;
	s23 =	simm.s32 $0x580;
	[dreg:$0x5] =	wrdreg s12  }
0x8: {  	s24 =	simm.s32 $0x6400;
	s28 =	simm.s32 $0x4400;
	[dreg:$0x6] =	wrdreg s14  }
0x9: {  	s30 =	simm.s32 $0x780;
	s31 =	simm.s32 $0x8400;
	[dreg:$0x7] =	wrdreg s16  }
0xa: {  	s29 =	simm.s32 $0x4C00;
	s1 =	sand.u32 $0x1, s1;
	[dreg:$0x8] =	wrdreg s18  }
0xb: {  	s2 =	sshll.u32 s8, $0xB;
	s4 =	sadd.s32 $0x54400, s0;
	[dreg:$0x9] =	wrdreg s19  }
0xc: {  	s5 =	sshll.u32 s8, $0x8;
	s6 =	sshll.u32 s8, $0xC;
	[dreg:$0xa] =	wrdreg s20  }
0xd: {  	s26 =	sshll.u32 s8, $0x1;
	s8 =	simm.s32 $0x400;
	[dreg:$0xb] =	wrdreg s21  }
0xe: {  	s3 =	sshll.u32 s1, $0xA;
	s7 =	ssub.s32 $0x2, s1;
	[dreg:$0xc] =	wrdreg s22  }
0xf: {  	s5 =	sadd.s32 s5, s0;
	s10 =	sshll.u32 s1, $0xB;
	[dreg:$0xd] =	wrdreg s23  }
0x10: {  	s17 =	sshll.u32 s1, $0x7;
	s11 =	simm.s32 $0x4;
	[dreg:$0xe] =	wrdreg s24  }
0x11: {  	s14 =	simm.s32 $0x4C00;
	s16 =	simm.s32 $0x2C00;
	s18 =	simm.s32 $0x6C00  }
0x12: {  	s19 =	simm.s32 $0x280;
	s20 =	simm.s32 $0x3400;
	s21 =	simm.s32 $0x680  }
0x13: {  	s2 =	sor.u32 s3, s2;
	s3 =	sadd.s32 $0xA52E00, s0;
	s5 =	sadd.s32 s17, s5  }
0x14: {  	s25 =	sshrl.u32 s7, $0x1;
	s2 =	sshrl.u32 s2, $0x3;
	s5 =	sadd.s32 $0x61000, s5  }
0x15: {  	s2 =	sadd.s32 s2, s0;
	s0 =	sadd.s32 s6, s0;
	s6 =	ssub.s32 s7, s25  }
0x16: {  	[dreg:$0x13] =	wrdreg s5;
	s25 =	sor.u32 s1, s26;
	s26 =	simm.s32 $0x200  }
0x17: {  	s22 =	simm.s32 $0x7400;
	s23 =	simm.s32 $0x300;
	[dreg:$0xf] =	wrdreg s26  }
0x18: {  	s24 =	simm.s32 $0x3C00;
	s6 =	smax.u32 s6, $0x1;
	[dreg:$0x15] =	wrdreg s25  }
0x19: {  	s12 =	simm.s32 $0x7C00;
	s9 =	sadd.s32 $0x2400, s2;
	[dreg:$0x10] =	wrdreg s6  }
0x1a: {  	s2 =	sadd.s32 $0x2B400, s2;
	s0 =	sadd.s32 s10, s0;
	[dreg:$0x2] =	wrdreg s9  }
0x1b: {  	s17 =	simm.s32 $0x600;
	[dreg:$0x3] =	wrdreg s2;
	s13 =	sadd.s32 $0x328400, s0  }
0x1c: {  	s1 =	simm.s32 $0x2;
	s15 =	sadd.s32 $0x98400, s0;
	[dreg:$0x11] =	wrdreg s13  }
0x1d: {  	s5 =	simm.s32 $0x0;
	s0 =	sadd.s32 $0x64400, s0;
	[dreg:$0x12] =	wrdreg s15  }
0x1e: {  	s10 =	simm.s32 $0x700;
	s26 =	simm.s32 $0x380;
	[dreg:$0x14] =	wrdreg s0  }
0x1f: {  	s13 =	simm.s32 $0x80;
	s15 =	simm.s32 $0xC00;
	s0 =	simm.s32 $0x1  }
.LBB2_1:
0x20: {  	s2 =	rddreg [dreg:$0x3]  }
0x21: {  	[dreg:$0x16] =	wrdreg s5;
	s9 =	simm.s32 $0x0;
	s2 =	sadd.s32 $0x0, s2  }
0x22: {  	[tilespmem:s9], [sflag:$0x4] =	stream.linear.gather [hbm4b:s2+s9], $0x400, $0x38;
	[tilespmem:$0xCC00] =	vst v63  }
0x23: {  	_ =	swait.ge [sflag:s11], $0x400  }
0x24: {  	s7 =	rddreg [dreg:$0x2];
	[sflag:s11] =	ssyncset.done $0x0  }
0x25: {  	[sflag:s11] =	ssyncadd.s32 $0xFFFFFC00;
	s2 =	sadd.s32 $0x0, s7  }
0x26: {  	[tilespmem:s8], [sflag:$0x4] =	stream.linear.gather [hbm4b:s2+s9], $0x400, $0x38;
	[tilespmem:$0xCC00] =	vst v63  }
0x27: {  	_ =	swait.ge [sflag:s11], $0x400  }
0x28: {  	s2 =	rddreg [dreg:$0xe]  }
0x29: {  	s25 =	rddreg [dreg:$0x4];
	[sflag:s11] =	ssyncset.done $0x0  }
0x2a: {  	s6 =	rddreg [dreg:$0x6];
	[sflag:s11] =	ssyncadd.s32 $0xFFFFFC00  }
0x2b: {  	[tilespmem:s15], [sflag:$0x1] =	stream.indirect.gather [hbm4b:s3+s13], $0x10, s9, s13, $0xb8;
	[tilespmem:$0xCC00] =	vst v63  }
0x2c: {  	s7 =	rddreg [dreg:$0x8]  }
0x2d: {  	[tilespmem:s14], [sflag:$0x2] =	stream.indirect.gather [hbm4b:s3+s13], $0x10, s8, s13, $0xb8;
	[tilespmem:$0xCC00] =	vst v63  }
0x2e: {  	s8 =	rddreg [dreg:$0x5]  }
0x2f: {  	[tilespmem:s25], [sflag:$0x1] =	stream.indirect.gather [hbm4b:s3+s13], $0x10, s13, s13, $0xb8;
	[tilespmem:$0xCC00] =	vst v63  }
0x30: {  	s25 =	rddreg [dreg:$0x7]  }
0x31: {  	[tilespmem:s6], [sflag:$0x2] =	stream.indirect.gather [hbm4b:s3+s13], $0x10, s8, s13, $0xb8;
	[tilespmem:$0xCC00] =	vst v63  }
0x32: {  	s6 =	rddreg [dreg:$0xa]  }
0x33: {  	s8 =	rddreg [dreg:$0x9]  }
0x34: {  	[tilespmem:s7], [sflag:$0x1] =	stream.indirect.gather [hbm4b:s3+s13], $0x10, s25, s13, $0xb8;
	[tilespmem:$0xCC00] =	vst v63  }
0x35: {  	s7 =	rddreg [dreg:$0xc]  }
0x36: {  	[tilespmem:s6], [sflag:$0x2] =	stream.indirect.gather [hbm4b:s3+s13], $0x10, s8, s13, $0xb8;
	[tilespmem:$0xCC00] =	vst v63  }
0x37: {  	s25 =	rddreg [dreg:$0xb]  }
0x38: {  	[tilespmem:s7], [sflag:$0x1] =	stream.indirect.gather [hbm4b:s3+s13], $0x10, s25, s13, $0xb8;
	[tilespmem:$0xCC00] =	vst v63  }
0x39: {  	s8 =	rddreg [dreg:$0xd]  }
0x3a: {  	[tilespmem:s2], [sflag:$0x2] =	stream.indirect.gather [hbm4b:s3+s13], $0x10, s8, s13, $0xb8;
	[tilespmem:$0xCC00] =	vst v63  }
0x3b: {  	s25 =	rddreg [dreg:$0xf]  }
0x3c: {  	[tilespmem:s16], [sflag:$0x1] =	stream.indirect.gather [hbm4b:s3+s13], $0x10, s25, s13, $0xb8;
	[tilespmem:$0xCC00] =	vst v63  }
0x3d: {  	_ = 	snop  }
0x3e: {  	[tilespmem:s18], [sflag:$0x2] =	stream.indirect.gather [hbm4b:s3+s13], $0x10, s17, s13, $0xb8;
	[tilespmem:$0xCC00] =	vst v63  }
0x3f: {  	_ = 	snop  }
0x40: {  	[tilespmem:s20], [sflag:$0x1] =	stream.indirect.gather [hbm4b:s3+s13], $0x10, s19, s13, $0xb8;
	[tilespmem:$0xCC00] =	vst v63  }
0x41: {  	_ = 	snop  }
0x42: {  	[tilespmem:s22], [sflag:$0x2] =	stream.indirect.gather [hbm4b:s3+s13], $0x10, s21, s13, $0xb8;
	[tilespmem:$0xCC00] =	vst v63  }
0x43: {  	_ = 	snop  }
0x44: {  	[tilespmem:s24], [sflag:$0x1] =	stream.indirect.gather [hbm4b:s3+s13], $0x10, s23, s13, $0xb8;
	[tilespmem:$0xCC00] =	vst v63  }
0x45: {  	_ = 	snop  }
0x46: {  	[tilespmem:s12], [sflag:$0x2] =	stream.indirect.gather [hbm4b:s3+s13], $0x10, s10, s13, $0xb8;
	[tilespmem:$0xCC00] =	vst v63  }
0x47: {  	_ = 	snop  }
0x48: {  	[tilespmem:s28], [sflag:$0x1] =	stream.indirect.gather [hbm4b:s3+s13], $0x10, s26, s13, $0xb8;
	[tilespmem:$0xCC00] =	vst v63  }
0x49: {  	_ = 	snop  }
0x4a: {  	[tilespmem:s31], [sflag:$0x2] =	stream.indirect.gather [hbm4b:s3+s13], $0x10, s30, s13, $0xb8;
	[tilespmem:$0xCC00] =	vst v63  }
0x4b: {  	_ =	swait.ge [sflag:s0], $0x800  }
0x4c: {  	[sflag:s0] =	ssyncset.done $0x0  }
0x4d: {  	[sflag:s0] =	ssyncadd.s32 $0xFFFFF800  }
0x4e: {  	_ =	swait.ge [sflag:s1], $0x800  }
0x4f: {  	[sflag:s1] =	ssyncset.done $0x0  }
0x50: {  	[sflag:s1] =	ssyncadd.s32 $0xFFFFF800  }
0x51: {  	_ =	swait.ge [sflag:s0], $0x800  }
0x52: {  	[sflag:s0] =	ssyncset.done $0x0  }
0x53: {  	[sflag:s0] =	ssyncadd.s32 $0xFFFFF800  }
0x54: {  	_ =	swait.ge [sflag:s1], $0x800  }
0x55: {  	[sflag:s1] =	ssyncset.done $0x0  }
0x56: {  	[sflag:s1] =	ssyncadd.s32 $0xFFFFF800  }
0x57: {  	_ =	swait.ge [sflag:s0], $0x800  }
0x58: {  	[sflag:s0] =	ssyncset.done $0x0  }
0x59: {  	[sflag:s0] =	ssyncadd.s32 $0xFFFFF800  }
0x5a: {  	_ =	swait.ge [sflag:s1], $0x800  }
0x5b: {  	[sflag:s1] =	ssyncset.done $0x0  }
0x5c: {  	[sflag:s1] =	ssyncadd.s32 $0xFFFFF800  }
0x5d: {  	_ =	swait.ge [sflag:s0], $0x800  }
0x5e: {  	[sflag:s0] =	ssyncset.done $0x0  }
0x5f: {  	[sflag:s0] =	ssyncadd.s32 $0xFFFFF800  }
0x60: {  	_ =	swait.ge [sflag:s1], $0x800  }
0x61: {  	[sflag:s1] =	ssyncset.done $0x0  }
0x62: {  	[sflag:s1] =	ssyncadd.s32 $0xFFFFF800  }
0x63: {  	_ =	swait.ge [sflag:s0], $0x800  }
0x64: {  	[sflag:s0] =	ssyncset.done $0x0  }
0x65: {  	[sflag:s0] =	ssyncadd.s32 $0xFFFFF800  }
0x66: {  	_ =	swait.ge [sflag:s1], $0x800  }
0x67: {  	[sflag:s1] =	ssyncset.done $0x0  }
0x68: {  	[sflag:s1] =	ssyncadd.s32 $0xFFFFF800  }
0x69: {  	_ =	swait.ge [sflag:s0], $0x800  }
0x6a: {  	[sflag:s0] =	ssyncset.done $0x0  }
0x6b: {  	[sflag:s0] =	ssyncadd.s32 $0xFFFFF800  }
0x6c: {  	_ =	swait.ge [sflag:s1], $0x800  }
0x6d: {  	[sflag:s1] =	ssyncset.done $0x0  }
0x6e: {  	[sflag:s1] =	ssyncadd.s32 $0xFFFFF800  }
0x6f: {  	_ =	swait.ge [sflag:s0], $0x800  }
0x70: {  	[sflag:s0] =	ssyncset.done $0x0  }
0x71: {  	[sflag:s0] =	ssyncadd.s32 $0xFFFFF800  }
0x72: {  	_ =	swait.ge [sflag:s1], $0x800  }
0x73: {  	[sflag:s1] =	ssyncset.done $0x0  }
0x74: {  	[sflag:s1] =	ssyncadd.s32 $0xFFFFF800  }
0x75: {  	_ =	swait.ge [sflag:s0], $0x800  }
0x76: {  	s14 =	simm.s32 $0x400;
	s2 =	simm.s32 $0x1000;
	[sflag:s0] =	ssyncset.done $0x0  }
0x77: {  	s25 =	simm.s32 $0x280;
	s22 =	simm.s32 $0x380;
	[sflag:s0] =	ssyncadd.s32 $0xFFFFF800  }
0x78: {  	s24 =	simm.s32 $0x6C00;
	s23 =	simm.s32 $0x4400;
	_ =	swait.ge [sflag:s1], $0x800  }
0x79: {  	s10 =	simm.s32 $0x700;
	s12 =	simm.s32 $0x7C00;
	[sflag:s1] =	ssyncset.done $0x0  }
0x7a: {  	s26 =	simm.s32 $0x3400;
	s7 =	rddreg [dreg:$0x12];
	[sflag:s1] =	ssyncadd.s32 $0xFFFFF800  }
0x7b: {  	[hbm4b:s7+s9] =	stream.linear.scatter [tilespmem:s15], [sflag:$0x4], $0x4000, $0x38;
	[tilespmem:$0xCC00] =	vst v63  }
0x7c: {  	s28 =	simm.s32 $0x680;
	s30 =	simm.s32 $0x8400;
	_ =	swait.ge [sflag:s11], $0x4000  }
0x7d: {  	s31 =	simm.s32 $0x3C00;
	s9 =	simm.s32 $0x0;
	s8 =	rddreg [dreg:$0x11]  }
0x7e: {  	s15 =	simm.s32 $0xC00;
	[sflag:s11] =	ssyncset.done $0x0;
	s6 =	smov.u32 s8  }
.LBB2_2:
0x7f: {  	[sflag:s11] =	ssyncadd.s32 $0xFFFFC000  }
0x80: {  	[hbm4b:s8+s9] =	stream.linear.scatter [tilespmem:s29], [sflag:$0x4], $0x4000, $0x38;
	[tilespmem:$0xCC00] =	vst v63  }
0x81: {  	_ =	swait.ge [sflag:s11], $0x4000  }
0x82: {  	s5 =	smov.u32 s2;
	s16 =	rddreg [dreg:$0x3];
	[sflag:s11] =	ssyncset.done $0x0  }
0x83: {  	s9 =	simm.s32 $0x0;
	[sflag:s11] =	ssyncadd.s32 $0xFFFFC000;
	s16 =	sadd.s32 s5, s16  }
0x84: {  	[tilespmem:s9], [sflag:$0x4] =	stream.linear.gather [hbm4b:s16+s9], $0x400, $0x38;
	[tilespmem:$0xCC00] =	vst v63  }
0x85: {  	_ =	swait.ge [sflag:s11], $0x400  }
0x86: {  	s20 =	rddreg [dreg:$0x2];
	[sflag:s11] =	ssyncset.done $0x0  }
0x87: {  	[sflag:s11] =	ssyncadd.s32 $0xFFFFFC00;
	s5 =	sadd.s32 s5, s20  }
0x88: {  	[tilespmem:s14], [sflag:$0x4] =	stream.linear.gather [hbm4b:s5+s9], $0x400, $0x38;
	[tilespmem:$0xCC00] =	vst v63  }
0x89: {  	_ =	swait.ge [sflag:s11], $0x400  }
0x8a: {  	s5 =	rddreg [dreg:$0xe]  }
0x8b: {  	s16 =	rddreg [dreg:$0xc]  }
0x8c: {  	s17 =	rddreg [dreg:$0x4];
	[sflag:s11] =	ssyncset.done $0x0  }
0x8d: {  	s18 =	rddreg [dreg:$0x6];
	[sflag:s11] =	ssyncadd.s32 $0xFFFFFC00  }
0x8e: {  	[tilespmem:s15], [sflag:$0x1] =	stream.indirect.gather [hbm4b:s3+s13], $0x10, s9, s13, $0xb8;
	[tilespmem:$0xCC00] =	vst v63  }
0x8f: {  	s19 =	rddreg [dreg:$0x8]  }
0x90: {  	[tilespmem:s29], [sflag:$0x2] =	stream.indirect.gather [hbm4b:s3+s13], $0x10, s14, s13, $0xb8;
	[tilespmem:$0xCC00] =	vst v63  }
0x91: {  	s20 =	rddreg [dreg:$0xa]  }
0x92: {  	[tilespmem:s17], [sflag:$0x1] =	stream.indirect.gather [hbm4b:s3+s13], $0x10, s13, s13, $0xb8;
	[tilespmem:$0xCC00] =	vst v63  }
0x93: {  	s21 =	rddreg [dreg:$0x5]  }
0x94: {  	[tilespmem:s18], [sflag:$0x2] =	stream.indirect.gather [hbm4b:s3+s13], $0x10, s21, s13, $0xb8;
	[tilespmem:$0xCC00] =	vst v63  }
0x95: {  	s17 =	rddreg [dreg:$0x7]  }
0x96: {  	[tilespmem:s19], [sflag:$0x1] =	stream.indirect.gather [hbm4b:s3+s13], $0x10, s17, s13, $0xb8;
	[tilespmem:$0xCC00] =	vst v63  }
0x97: {  	s21 =	rddreg [dreg:$0x9]  }
0x98: {  	[tilespmem:s20], [sflag:$0x2] =	stream.indirect.gather [hbm4b:s3+s13], $0x10, s21, s13, $0xb8;
	[tilespmem:$0xCC00] =	vst v63  }
0x99: {  	s19 =	rddreg [dreg:$0xb]  }
0x9a: {  	[tilespmem:s16], [sflag:$0x1] =	stream.indirect.gather [hbm4b:s3+s13], $0x10, s19, s13, $0xb8;
	[tilespmem:$0xCC00] =	vst v63  }
0x9b: {  	s20 =	rddreg [dreg:$0xd]  }
0x9c: {  	[tilespmem:s5], [sflag:$0x2] =	stream.indirect.gather [hbm4b:s3+s13], $0x10, s20, s13, $0xb8;
	[tilespmem:$0xCC00] =	vst v63  }
0x9d: {  	s17 =	simm.s32 $0x2C00;
	s21 =	rddreg [dreg:$0xf]  }
0x9e: {  	[tilespmem:s17], [sflag:$0x1] =	stream.indirect.gather [hbm4b:s3+s13], $0x10, s21, s13, $0xb8;
	[tilespmem:$0xCC00] =	vst v63  }
0x9f: {  	s18 =	simm.s32 $0x600  }
0xa0: {  	[tilespmem:s24], [sflag:$0x2] =	stream.indirect.gather [hbm4b:s3+s13], $0x10, s18, s13, $0xb8;
	[tilespmem:$0xCC00] =	vst v63  }
0xa1: {  	_ = 	snop  }
0xa2: {  	[tilespmem:s26], [sflag:$0x1] =	stream.indirect.gather [hbm4b:s3+s13], $0x10, s25, s13, $0xb8;
	[tilespmem:$0xCC00] =	vst v63  }
0xa3: {  	s19 =	simm.s32 $0x7400  }
0xa4: {  	[tilespmem:s19], [sflag:$0x2] =	stream.indirect.gather [hbm4b:s3+s13], $0x10, s28, s13, $0xb8;
	[tilespmem:$0xCC00] =	vst v63  }
0xa5: {  	s20 =	simm.s32 $0x300  }
0xa6: {  	[tilespmem:s31], [sflag:$0x1] =	stream.indirect.gather [hbm4b:s3+s13], $0x10, s20, s13, $0xb8;
	[tilespmem:$0xCC00] =	vst v63  }
0xa7: {  	_ = 	snop  }
0xa8: {  	[tilespmem:s12], [sflag:$0x2] =	stream.indirect.gather [hbm4b:s3+s13], $0x10, s10, s13, $0xb8;
	[tilespmem:$0xCC00] =	vst v63  }
0xa9: {  	_ = 	snop  }
0xaa: {  	[tilespmem:s23], [sflag:$0x1] =	stream.indirect.gather [hbm4b:s3+s13], $0x10, s22, s13, $0xb8;
	[tilespmem:$0xCC00] =	vst v63  }
0xab: {  	s21 =	simm.s32 $0x780  }
0xac: {  	[tilespmem:s30], [sflag:$0x2] =	stream.indirect.gather [hbm4b:s3+s13], $0x10, s21, s13, $0xb8;
	[tilespmem:$0xCC00] =	vst v63  }
0xad: {  	_ =	swait.ge [sflag:s0], $0x800  }
0xae: {  	[sflag:s0] =	ssyncset.done $0x0  }
0xaf: {  	[sflag:s0] =	ssyncadd.s32 $0xFFFFF800  }
0xb0: {  	_ =	swait.ge [sflag:s1], $0x800  }
0xb1: {  	[sflag:s1] =	ssyncset.done $0x0  }
0xb2: {  	[sflag:s1] =	ssyncadd.s32 $0xFFFFF800  }
0xb3: {  	_ =	swait.ge [sflag:s0], $0x800  }
0xb4: {  	[sflag:s0] =	ssyncset.done $0x0  }
0xb5: {  	[sflag:s0] =	ssyncadd.s32 $0xFFFFF800  }
0xb6: {  	_ =	swait.ge [sflag:s1], $0x800  }
0xb7: {  	[sflag:s1] =	ssyncset.done $0x0  }
0xb8: {  	[sflag:s1] =	ssyncadd.s32 $0xFFFFF800  }
0xb9: {  	_ =	swait.ge [sflag:s0], $0x800  }
0xba: {  	[sflag:s0] =	ssyncset.done $0x0  }
0xbb: {  	[sflag:s0] =	ssyncadd.s32 $0xFFFFF800  }
0xbc: {  	_ =	swait.ge [sflag:s1], $0x800  }
0xbd: {  	[sflag:s1] =	ssyncset.done $0x0  }
0xbe: {  	[sflag:s1] =	ssyncadd.s32 $0xFFFFF800  }
0xbf: {  	_ =	swait.ge [sflag:s0], $0x800  }
0xc0: {  	[sflag:s0] =	ssyncset.done $0x0  }
0xc1: {  	[sflag:s0] =	ssyncadd.s32 $0xFFFFF800  }
0xc2: {  	_ =	swait.ge [sflag:s1], $0x800  }
0xc3: {  	[sflag:s1] =	ssyncset.done $0x0  }
0xc4: {  	[sflag:s1] =	ssyncadd.s32 $0xFFFFF800  }
0xc5: {  	_ =	swait.ge [sflag:s0], $0x800  }
0xc6: {  	[sflag:s0] =	ssyncset.done $0x0  }
0xc7: {  	[sflag:s0] =	ssyncadd.s32 $0xFFFFF800  }
0xc8: {  	_ =	swait.ge [sflag:s1], $0x800  }
0xc9: {  	[sflag:s1] =	ssyncset.done $0x0  }
0xca: {  	[sflag:s1] =	ssyncadd.s32 $0xFFFFF800  }
0xcb: {  	_ =	swait.ge [sflag:s0], $0x800  }
0xcc: {  	[sflag:s0] =	ssyncset.done $0x0  }
0xcd: {  	[sflag:s0] =	ssyncadd.s32 $0xFFFFF800  }
0xce: {  	_ =	swait.ge [sflag:s1], $0x800  }
0xcf: {  	[sflag:s1] =	ssyncset.done $0x0  }
0xd0: {  	[sflag:s1] =	ssyncadd.s32 $0xFFFFF800  }
0xd1: {  	_ =	swait.ge [sflag:s0], $0x800  }
0xd2: {  	[sflag:s0] =	ssyncset.done $0x0  }
0xd3: {  	[sflag:s0] =	ssyncadd.s32 $0xFFFFF800  }
0xd4: {  	_ =	swait.ge [sflag:s1], $0x800  }
0xd5: {  	[sflag:s1] =	ssyncset.done $0x0  }
0xd6: {  	[sflag:s1] =	ssyncadd.s32 $0xFFFFF800  }
0xd7: {  	_ =	swait.ge [sflag:s0], $0x800  }
0xd8: {  	[sflag:s0] =	ssyncset.done $0x0  }
0xd9: {  	[sflag:s0] =	ssyncadd.s32 $0xFFFFF800  }
0xda: {  	p0 =	sne.s32 s2, $0x28000;
	_ =	swait.ge [sflag:s1], $0x800  }
.Ltmp0:
0xdb: {  	[sflag:s1] =	ssyncset.done $0x0;
	(pc) =	sbr.rel @p0 .LBB2_2-.Ltmp0, $4  }
0xdc: {  	s7 =	sadd.s32 $0x10000, s7;
	[sflag:s1] =	ssyncadd.s32 $0xFFFFF800  }
0xdd: {  	[hbm4b:s7+s9] =	stream.linear.scatter [tilespmem:s15], [sflag:$0x4], $0x4000, $0x38;
	[tilespmem:$0xCC00] =	vst v63  }
0xde: {  	s6 =	sadd.s32 $0x10000, s6;
	_ =	swait.ge [sflag:s11], $0x4000  }
0xdf: {  	s2 =	sadd.s32 $0x1000, s2;
	s8 =	smov.u32 s6;
	[sflag:s11] =	ssyncset.done $0x0  }
0xe0: {  	[sflag:s11] =	ssyncadd.s32 $0xFFFFC000  }
0xe1: {  	[hbm4b:s8+s9] =	stream.linear.scatter [tilespmem:s29], [sflag:$0x4], $0x4000, $0x38;
	[tilespmem:$0xCC00] =	vst v63  }
0xe2: {  	_ =	swait.ge [sflag:s11], $0x4000  }
0xe3: {  	s25 =	rddreg [dreg:$0x15]  }
0xe4: {  	[sflag:s11] =	ssyncset.done $0x0;
	s2 =	sadd.s32 $0x0, s25  }
0xe5: {  	s16 =	rddreg [dreg:$0x13];
	[sflag:s11] =	ssyncadd.s32 $0xFFFFC000;
	p0 =	sgt.u32 s2, $0x67  }
0xe6: {  	s2 =	simm.s32 @!p0 $0x0;
	s5 =	simm.s32 @!p0 $0x800;
	s6 =	simm.s32 @!p0 $0x5  }
0xe7: {  	[tilespmem:s5], [sflag:$0x5] =	stream.linear.gather @!p0 [hbm4b:s16+s2], $0x400, $0x38;
	[tilespmem:$0xCC00] =	vst v63  }
0xe8: {  	_ =	swait.ge @!p0 [sflag:s6], $0x400;
	p0 =	por p0, p0  }
0xe9: {  	[sflag:s6] =	ssyncset.done @!p0 $0x0  }
0xea: {  	s7 =	simm.s32 @!p0 $0x80;
	s8 =	simm.s32 @!p0 $0x8C00;
	[sflag:s6] =	ssyncadd.s32 @!p0 $0xFFFFFC00  }
0xeb: {  	[tilespmem:s8], [sflag:$0x3] =	stream.indirect.gather @!p0 [hbm4b:s4+s7], $0x10, s5, s7, $0xb8;
	[tilespmem:$0xCC00] =	vst v63  }
0xec: {  	s6 =	simm.s32 @!p0 $0x9400;
	s5 =	simm.s32 @!p0 $0x880  }
0xed: {  	[tilespmem:s6], [sflag:$0x3] =	stream.indirect.gather @!p0 [hbm4b:s4+s7], $0x10, s5, s7, $0xb8;
	[tilespmem:$0xCC00] =	vst v63  }
0xee: {  	s5 =	simm.s32 @!p0 $0x900;
	s6 =	simm.s32 @!p0 $0x9C00  }
0xef: {  	[tilespmem:s6], [sflag:$0x3] =	stream.indirect.gather @!p0 [hbm4b:s4+s7], $0x10, s5, s7, $0xb8;
	[tilespmem:$0xCC00] =	vst v63  }
0xf0: {  	s5 =	simm.s32 @!p0 $0x980;
	s6 =	simm.s32 @!p0 $0xA400  }
0xf1: {  	[tilespmem:s6], [sflag:$0x3] =	stream.indirect.gather @!p0 [hbm4b:s4+s7], $0x10, s5, s7, $0xb8;
	[tilespmem:$0xCC00] =	vst v63  }
0xf2: {  	s5 =	simm.s32 @!p0 $0xA00;
	s6 =	simm.s32 @!p0 $0xAC00  }
0xf3: {  	[tilespmem:s6], [sflag:$0x3] =	stream.indirect.gather @!p0 [hbm4b:s4+s7], $0x10, s5, s7, $0xb8;
	[tilespmem:$0xCC00] =	vst v63  }
0xf4: {  	s5 =	simm.s32 @!p0 $0xA80;
	s6 =	simm.s32 @!p0 $0xB400  }
0xf5: {  	[tilespmem:s6], [sflag:$0x3] =	stream.indirect.gather @!p0 [hbm4b:s4+s7], $0x10, s5, s7, $0xb8;
	[tilespmem:$0xCC00] =	vst v63  }
0xf6: {  	s5 =	simm.s32 @!p0 $0xB00;
	s6 =	simm.s32 @!p0 $0xBC00  }
0xf7: {  	[tilespmem:s6], [sflag:$0x3] =	stream.indirect.gather @!p0 [hbm4b:s4+s7], $0x10, s5, s7, $0xb8;
	[tilespmem:$0xCC00] =	vst v63  }
0xf8: {  	s9 =	simm.s32 @!p0 $0x3;
	s5 =	simm.s32 @!p0 $0xB80;
	s6 =	simm.s32 @!p0 $0xC400  }
0xf9: {  	[tilespmem:s6], [sflag:$0x3] =	stream.indirect.gather @!p0 [hbm4b:s4+s7], $0x10, s5, s7, $0xb8;
	[tilespmem:$0xCC00] =	vst v63  }
0xfa: {  	_ =	swait.ge @!p0 [sflag:s9], $0x800  }
0xfb: {  	[sflag:s9] =	ssyncset.done @!p0 $0x0  }
0xfc: {  	[sflag:s9] =	ssyncadd.s32 @!p0 $0xFFFFF800  }
0xfd: {  	_ =	swait.ge @!p0 [sflag:s9], $0x800  }
0xfe: {  	[sflag:s9] =	ssyncset.done @!p0 $0x0  }
0xff: {  	[sflag:s9] =	ssyncadd.s32 @!p0 $0xFFFFF800  }
0x100: {  	_ =	swait.ge @!p0 [sflag:s9], $0x800  }
0x101: {  	[sflag:s9] =	ssyncset.done @!p0 $0x0  }
0x102: {  	[sflag:s9] =	ssyncadd.s32 @!p0 $0xFFFFF800  }
0x103: {  	_ =	swait.ge @!p0 [sflag:s9], $0x800  }
0x104: {  	[sflag:s9] =	ssyncset.done @!p0 $0x0  }
0x105: {  	[sflag:s9] =	ssyncadd.s32 @!p0 $0xFFFFF800  }
0x106: {  	_ =	swait.ge @!p0 [sflag:s9], $0x800  }
0x107: {  	[sflag:s9] =	ssyncset.done @!p0 $0x0  }
0x108: {  	[sflag:s9] =	ssyncadd.s32 @!p0 $0xFFFFF800  }
0x109: {  	_ =	swait.ge @!p0 [sflag:s9], $0x800  }
0x10a: {  	[sflag:s9] =	ssyncset.done @!p0 $0x0  }
0x10b: {  	[sflag:s9] =	ssyncadd.s32 @!p0 $0xFFFFF800  }
0x10c: {  	_ =	swait.ge @!p0 [sflag:s9], $0x800  }
0x10d: {  	[sflag:s9] =	ssyncset.done @!p0 $0x0  }
0x10e: {  	[sflag:s9] =	ssyncadd.s32 @!p0 $0xFFFFF800  }
0x10f: {  	s14 =	simm.s32 $0x4C00;
	s31 =	sadd.s32 $0x20, s25;
	_ =	swait.ge @!p0 [sflag:s9], $0x800  }
0x110: {  	p2 =	sgt.u32 s31, $0x67;
	s17 =	simm.s32 @!p0 $0x4;
	[sflag:s9] =	ssyncset.done @!p0 $0x0  }
0x111: {  	s6 =	simm.s32 $0x40;
	s5 =	rddreg [dreg:$0x14];
	[sflag:s9] =	ssyncadd.s32 @!p0 $0xFFFFF800  }
0x112: {  	[hbm4b:s5+s2] =	stream.linear.scatter @!p0 [tilespmem:s8], [sflag:$0x4], $0x4000, $0x38;
	[tilespmem:$0xCC00] =	vst v63  }
0x113: {  	s7 =	sadd.s32 $0x1000, s16;
	s2 =	sadd.s32 $0x10000, s5;
	_ =	swait.ge @!p0 [sflag:s17], $0x4000  }
.LBB2_4:
0x114: {  	s8 =	simm.s32 @!p2 $0x0;
	s18 =	simm.s32 @!p2 $0x800  }
0x115: {  	[sflag:s17] =	ssyncset.done @!p0 $0x0;
	s5 =	smov.u32 s6;
	s9 =	smov.u32 s2  }
0x116: {  	s6 =	sadd.s32 $0x20, s6;
	s19 =	simm.s32 @!p2 $0x5;
	[sflag:s17] =	ssyncadd.s32 @!p0 $0xFFFFC000  }
0x117: {  	[tilespmem:s18], [sflag:$0x5] =	stream.linear.gather @!p2 [hbm4b:s7+s8], $0x400, $0x38;
	[tilespmem:$0xCC00] =	vst v63  }
0x118: {  	p1 =	sne.s32 s6, $0x80;
	p0 =	por p2, p2;
	_ =	swait.ge @!p2 [sflag:s19], $0x400  }
0x119: {  	s17 =	simm.s32 @!p0 $0x80;
	s16 =	simm.s32 @!p0 $0x8C00;
	[sflag:s19] =	ssyncset.done @!p0 $0x0  }
0x11a: {  	s20 =	simm.s32 @!p0 $0x9400;
	[sflag:s19] =	ssyncadd.s32 @!p0 $0xFFFFFC00;
	s19 =	simm.s32 @!p0 $0x880  }
0x11b: {  	[tilespmem:s16], [sflag:$0x3] =	stream.indirect.gather @!p0 [hbm4b:s4+s17], $0x10, s18, s17, $0xb8;
	[tilespmem:$0xCC00] =	vst v63  }
0x11c: {  	s21 =	simm.s32 @!p0 $0x9C00;
	s18 =	simm.s32 @!p0 $0x900  }
0x11d: {  	[tilespmem:s20], [sflag:$0x3] =	stream.indirect.gather @!p0 [hbm4b:s4+s17], $0x10, s19, s17, $0xb8;
	[tilespmem:$0xCC00] =	vst v63  }
0x11e: {  	s19 =	simm.s32 @!p0 $0x980;
	s20 =	simm.s32 @!p0 $0xA400  }
0x11f: {  	[tilespmem:s21], [sflag:$0x3] =	stream.indirect.gather @!p0 [hbm4b:s4+s17], $0x10, s18, s17, $0xb8;
	[tilespmem:$0xCC00] =	vst v63  }
0x120: {  	s18 =	simm.s32 @!p0 $0xA00;
	s21 =	simm.s32 @!p0 $0xAC00  }
0x121: {  	[tilespmem:s20], [sflag:$0x3] =	stream.indirect.gather @!p0 [hbm4b:s4+s17], $0x10, s19, s17, $0xb8;
	[tilespmem:$0xCC00] =	vst v63  }
0x122: {  	s19 =	simm.s32 @!p0 $0xA80;
	s20 =	simm.s32 @!p0 $0xB400  }
0x123: {  	[tilespmem:s21], [sflag:$0x3] =	stream.indirect.gather @!p0 [hbm4b:s4+s17], $0x10, s18, s17, $0xb8;
	[tilespmem:$0xCC00] =	vst v63  }
0x124: {  	s18 =	simm.s32 @!p0 $0xB00;
	s21 =	simm.s32 @!p0 $0xBC00  }
0x125: {  	[tilespmem:s20], [sflag:$0x3] =	stream.indirect.gather @!p0 [hbm4b:s4+s17], $0x10, s19, s17, $0xb8;
	[tilespmem:$0xCC00] =	vst v63  }
0x126: {  	s19 =	simm.s32 @!p0 $0xB80;
	s20 =	simm.s32 @!p0 $0xC400  }
0x127: {  	[tilespmem:s21], [sflag:$0x3] =	stream.indirect.gather @!p0 [hbm4b:s4+s17], $0x10, s18, s17, $0xb8;
	[tilespmem:$0xCC00] =	vst v63  }
0x128: {  	s18 =	simm.s32 @!p0 $0x3  }
0x129: {  	[tilespmem:s20], [sflag:$0x3] =	stream.indirect.gather @!p0 [hbm4b:s4+s17], $0x10, s19, s17, $0xb8;
	[tilespmem:$0xCC00] =	vst v63  }
0x12a: {  	_ =	swait.ge @!p0 [sflag:s18], $0x800  }
0x12b: {  	[sflag:s18] =	ssyncset.done @!p0 $0x0  }
0x12c: {  	[sflag:s18] =	ssyncadd.s32 @!p0 $0xFFFFF800  }
0x12d: {  	_ =	swait.ge @!p0 [sflag:s18], $0x800  }
0x12e: {  	[sflag:s18] =	ssyncset.done @!p0 $0x0  }
0x12f: {  	[sflag:s18] =	ssyncadd.s32 @!p0 $0xFFFFF800  }
0x130: {  	_ =	swait.ge @!p0 [sflag:s18], $0x800  }
0x131: {  	[sflag:s18] =	ssyncset.done @!p0 $0x0  }
0x132: {  	[sflag:s18] =	ssyncadd.s32 @!p0 $0xFFFFF800  }
0x133: {  	_ =	swait.ge @!p0 [sflag:s18], $0x800  }
0x134: {  	[sflag:s18] =	ssyncset.done @!p0 $0x0  }
0x135: {  	[sflag:s18] =	ssyncadd.s32 @!p0 $0xFFFFF800  }
0x136: {  	_ =	swait.ge @!p0 [sflag:s18], $0x800  }
0x137: {  	[sflag:s18] =	ssyncset.done @!p0 $0x0  }
0x138: {  	[sflag:s18] =	ssyncadd.s32 @!p0 $0xFFFFF800  }
0x139: {  	_ =	swait.ge @!p0 [sflag:s18], $0x800  }
0x13a: {  	[sflag:s18] =	ssyncset.done @!p0 $0x0  }
0x13b: {  	[sflag:s18] =	ssyncadd.s32 @!p0 $0xFFFFF800  }
0x13c: {  	_ =	swait.ge @!p0 [sflag:s18], $0x800  }
0x13d: {  	[sflag:s18] =	ssyncset.done @!p0 $0x0  }
0x13e: {  	[sflag:s18] =	ssyncadd.s32 @!p0 $0xFFFFF800  }
.Ltmp1:
0x13f: {  	_ =	swait.ge @!p0 [sflag:s18], $0x800;
	(pc) =	sbr.rel @p1 .LBB2_4-.Ltmp1, $4  }
0x140: {  	s2 =	sadd.s32 $0x10000, s2;
	[sflag:s18] =	ssyncset.done @!p0 $0x0  }
0x141: {  	s5 =	sadd.s32 s5, s25;
	s17 =	simm.s32 @!p0 $0x4;
	[sflag:s18] =	ssyncadd.s32 @!p0 $0xFFFFF800  }
0x142: {  	[hbm4b:s9+s8] =	stream.linear.scatter @!p0 [tilespmem:s16], [sflag:$0x4], $0x4000, $0x38;
	[tilespmem:$0xCC00] =	vst v63  }
0x143: {  	s7 =	sadd.s32 $0x1000, s7;
	p2 =	sgt.u32 s5, $0x67;
	_ =	swait.ge @!p0 [sflag:s17], $0x4000  }
0x144: {  	s5 =	simm.s32 @!p2 $0x0;
	[sflag:s17] =	ssyncset.done @!p0 $0x0  }
0x145: {  	s6 =	simm.s32 @!p2 $0x800;
	s8 =	simm.s32 @!p2 $0x5;
	[sflag:s17] =	ssyncadd.s32 @!p0 $0xFFFFC000  }
0x146: {  	[tilespmem:s6], [sflag:$0x5] =	stream.linear.gather @!p2 [hbm4b:s7+s5], $0x400, $0x38;
	[tilespmem:$0xCC00] =	vst v63  }
0x147: {  	p0 =	por p2, p2;
	_ =	swait.ge @!p2 [sflag:s8], $0x400  }
0x148: {  	[sflag:s8] =	ssyncset.done @!p0 $0x0  }
0x149: {  	s7 =	simm.s32 @!p0 $0x80;
	s9 =	simm.s32 @!p0 $0x8C00;
	[sflag:s8] =	ssyncadd.s32 @!p0 $0xFFFFFC00  }
0x14a: {  	[tilespmem:s9], [sflag:$0x3] =	stream.indirect.gather @!p0 [hbm4b:s4+s7], $0x10, s6, s7, $0xb8;
	[tilespmem:$0xCC00] =	vst v63  }
0x14b: {  	s8 =	simm.s32 @!p0 $0x9400;
	s6 =	simm.s32 @!p0 $0x880  }
0x14c: {  	[tilespmem:s8], [sflag:$0x3] =	stream.indirect.gather @!p0 [hbm4b:s4+s7], $0x10, s6, s7, $0xb8;
	[tilespmem:$0xCC00] =	vst v63  }
0x14d: {  	s6 =	simm.s32 @!p0 $0x900;
	s8 =	simm.s32 @!p0 $0x9C00  }
0x14e: {  	[tilespmem:s8], [sflag:$0x3] =	stream.indirect.gather @!p0 [hbm4b:s4+s7], $0x10, s6, s7, $0xb8;
	[tilespmem:$0xCC00] =	vst v63  }
0x14f: {  	s6 =	simm.s32 @!p0 $0x980;
	s8 =	simm.s32 @!p0 $0xA400  }
0x150: {  	[tilespmem:s8], [sflag:$0x3] =	stream.indirect.gather @!p0 [hbm4b:s4+s7], $0x10, s6, s7, $0xb8;
	[tilespmem:$0xCC00] =	vst v63  }
0x151: {  	s6 =	simm.s32 @!p0 $0xA00;
	s8 =	simm.s32 @!p0 $0xAC00  }
0x152: {  	[tilespmem:s8], [sflag:$0x3] =	stream.indirect.gather @!p0 [hbm4b:s4+s7], $0x10, s6, s7, $0xb8;
	[tilespmem:$0xCC00] =	vst v63  }
0x153: {  	s6 =	simm.s32 @!p0 $0xA80;
	s8 =	simm.s32 @!p0 $0xB400  }
0x154: {  	[tilespmem:s8], [sflag:$0x3] =	stream.indirect.gather @!p0 [hbm4b:s4+s7], $0x10, s6, s7, $0xb8;
	[tilespmem:$0xCC00] =	vst v63  }
0x155: {  	s6 =	simm.s32 @!p0 $0xB00;
	s8 =	simm.s32 @!p0 $0xBC00  }
0x156: {  	[tilespmem:s8], [sflag:$0x3] =	stream.indirect.gather @!p0 [hbm4b:s4+s7], $0x10, s6, s7, $0xb8;
	[tilespmem:$0xCC00] =	vst v63  }
0x157: {  	s16 =	simm.s32 @!p0 $0x3;
	s6 =	simm.s32 @!p0 $0xB80;
	s8 =	simm.s32 @!p0 $0xC400  }
0x158: {  	[tilespmem:s8], [sflag:$0x3] =	stream.indirect.gather @!p0 [hbm4b:s4+s7], $0x10, s6, s7, $0xb8;
	[tilespmem:$0xCC00] =	vst v63  }
0x159: {  	_ =	swait.ge @!p0 [sflag:s16], $0x800  }
0x15a: {  	[sflag:s16] =	ssyncset.done @!p0 $0x0  }
0x15b: {  	[sflag:s16] =	ssyncadd.s32 @!p0 $0xFFFFF800  }
0x15c: {  	_ =	swait.ge @!p0 [sflag:s16], $0x800  }
0x15d: {  	[sflag:s16] =	ssyncset.done @!p0 $0x0  }
0x15e: {  	[sflag:s16] =	ssyncadd.s32 @!p0 $0xFFFFF800  }
0x15f: {  	_ =	swait.ge @!p0 [sflag:s16], $0x800  }
0x160: {  	[sflag:s16] =	ssyncset.done @!p0 $0x0  }
0x161: {  	[sflag:s16] =	ssyncadd.s32 @!p0 $0xFFFFF800  }
0x162: {  	_ =	swait.ge @!p0 [sflag:s16], $0x800  }
0x163: {  	[sflag:s16] =	ssyncset.done @!p0 $0x0  }
0x164: {  	[sflag:s16] =	ssyncadd.s32 @!p0 $0xFFFFF800  }
0x165: {  	_ =	swait.ge @!p0 [sflag:s16], $0x800  }
0x166: {  	[sflag:s16] =	ssyncset.done @!p0 $0x0  }
0x167: {  	[sflag:s16] =	ssyncadd.s32 @!p0 $0xFFFFF800  }
0x168: {  	_ =	swait.ge @!p0 [sflag:s16], $0x800  }
0x169: {  	[sflag:s16] =	ssyncset.done @!p0 $0x0  }
0x16a: {  	[sflag:s16] =	ssyncadd.s32 @!p0 $0xFFFFF800  }
0x16b: {  	_ =	swait.ge @!p0 [sflag:s16], $0x800  }
0x16c: {  	[sflag:s16] =	ssyncset.done @!p0 $0x0  }
0x16d: {  	[sflag:s16] =	ssyncadd.s32 @!p0 $0xFFFFF800  }
0x16e: {  	_ =	swait.ge @!p0 [sflag:s16], $0x800  }
0x16f: {  	[sflag:s16] =	ssyncset.done @!p0 $0x0  }
0x170: {  	s6 =	simm.s32 @!p0 $0x4;
	[sflag:s16] =	ssyncadd.s32 @!p0 $0xFFFFF800  }
0x171: {  	[hbm4b:s2+s5] =	stream.linear.scatter @!p0 [tilespmem:s9], [sflag:$0x4], $0x4000, $0x38;
	[tilespmem:$0xCC00] =	vst v63  }
0x172: {  	_ =	swait.ge @!p0 [sflag:s6], $0x4000  }
0x173: {  	s18 =	simm.s32 $0x6C00;
	s19 =	simm.s32 $0x280;
	s25 =	rddreg [dreg:$0x16]  }
0x174: {  	s20 =	simm.s32 $0x3400;
	s26 =	rddreg [dreg:$0x10];
	s5 =	sadd.s32 $0x1, s25  }
0x175: {  	s21 =	simm.s32 $0x680;
	s22 =	simm.s32 $0x7400;
	p1 =	sne.s32 s5, s26  }
.Ltmp2:
0x176: {  	s23 =	simm.s32 $0x300;
	s24 =	simm.s32 $0x3C00;
	(pc) =	sbr.rel @p1 .LBB2_1-.Ltmp2, $4  }
0x177: {  	s10 =	simm.s32 $0x700;
	s12 =	simm.s32 $0x7C00;
	s15 =	simm.s32 $0xC00  }
0x178: {  	s28 =	simm.s32 $0x4400;
	s30 =	simm.s32 $0x780;
	s31 =	simm.s32 $0x8400  }
0x179: {  	s17 =	simm.s32 $0x600;
	s8 =	simm.s32 $0x400;
	[sflag:s6] =	ssyncset.done @!p0 $0x0  }
0x17a: {  	s16 =	simm.s32 $0x2C00;
	[sflag:s6] =	ssyncadd.s32 @!p0 $0xFFFFC000;
	s26 =	simm.s32 $0x380  }
0x17b: {  	_ =	sfence.sel $0x180000  }
0x17c: {  	[bflag:$0x0] =	sbarrier.arrive $0xFFFF  }
0x17d: {  	_ =	strace $0x90000047  }
0x17e: {  	s0 =	stileid.u32;
	[bflag:$0x2] =	sbarrier.arrive $0xFFFF  }
0x17f: {  	p0 =	sne.s32 s0, $0x0;
	s0 =	rddreg [dreg:$0x1]  }
0x180: {  	s0 =	sadd.s32 @!p0 $0x100000, s0  }
0x181: {  	[sflag:s0] =	ssyncadd.tile.s32 @!p0 $0x1;
	_ =	shalt  }
.Lfunc_end2:
_tile_overlayer_lowered:
.L_overlay_start_2:
0x182: {  	(tag) =	ssettag $0x2  }
0x183: {  	s0 =	rddreg [dreg:$0x0];
	s2 =	stileid.u32  }
0x184: {  	s1 =	rddreg [dreg:$0x1];
	p0 =	sne.s32 s2, $0x0  }
0x185: {  	s3 =	rddreg [dreg:$0x2];
	[bflag:$0x3] =	sbarrier.arrive $0xFFFF;
	s2 =	simm.s32 @!p0 $0x1C04  }
0x186: {  	[timem:s3], [sflag:s2] =	dma.local @!p0 [hbm:s0], s1  }
0x187: {  	s0 =	simm.s32 @!p0 $0x4  }
0x188: {  	_ =	swait.ge @!p0 [sflag:s0], s1  }
0x189: {  	s1 =	ssub.s32 @!p0 $0x0, s1;
	[sflag:s0] =	ssyncset.done @!p0 $0x0  }
0x18a: {  	[sflag:s0] =	ssyncadd.s32 @!p0 s1  }
0x18b: {  	[bflag:$0x3] =	sbarrier.arrive $0xFFFF  }
0x18c: {  	_ =	shalt  }

</sc_bundles>
